<compile_context>
chip_gen: v7x
topology: tpu7x:2x2x1
jax: 0.10.2.dev20260603
libtpu: 0.0.44.dev20260713+nightly
codegen_flags: <defaults>
</compile_context>

<pallas_src>
import functools

import jax
import jax.numpy as jnp
from jax import lax
from jax.experimental import pallas as pl
from jax.experimental.pallas import tpu as pltpu
from jax.experimental.pallas import tpu_sc as plsc

B = 4096
LK = 512
D = 128
V = 2048
VH = V // 2
NC, NS = 2, 16
NW = NC * NS
BPW = B // NW
NLANE = 16
GRP = BPW // NLANE
UNROLL = 8

_mesh = plsc.VectorSubcoreMesh(core_axis_name="c", subcore_axis_name="s")


@functools.partial(
    pl.kernel,
    out_type=jax.ShapeDtypeStruct((B * VH,), jnp.int32),
    mesh=_mesh,
    scratch_types=[
        pltpu.VMEM((NLANE * LK,), jnp.int32),
        pltpu.VMEM((NLANE * LK,), jnp.int32),
        pltpu.VMEM((NLANE * VH,), jnp.int32),
        pltpu.VMEM((NLANE * VH,), jnp.int32),
        pltpu.SemaphoreType.DMA,
        pltpu.SemaphoreType.DMA,
        pltpu.SemaphoreType.DMA,
        pltpu.SemaphoreType.DMA,
    ],
    compiler_params=pltpu.CompilerParams(needs_layout_passes=False),
)
def _hist(idx_hbm, h_hbm, idx0, idx1, h0, h1, si0, si1, so0, so1):
    wid = lax.axis_index("s") * NC + lax.axis_index("c")
    base = wid * BPW
    lane = lax.iota(jnp.int32, NLANE)
    lane_lk = lane * LK
    lane_vh = lane * VH
    zeros = jnp.zeros((NLANE,), jnp.int32)
    one = jnp.int32(1)

    idxb = [idx0, idx1]
    hb = [h0, h1]
    sis = [si0, si1]
    sos = [so0, so1]
    idx_desc = [None, None]
    out_desc = [None, None]

    idx_desc[0] = pltpu.async_copy(
        idx_hbm.at[pl.ds(base * LK, NLANE * LK)], idx0, si0)

    for g in range(GRP):
        p = g % 2
        gbase = base + g * NLANE
        if g + 1 < GRP:
            nbase = base + (g + 1) * NLANE
            idx_desc[1 - p] = pltpu.async_copy(
                idx_hbm.at[pl.ds(nbase * LK, NLANE * LK)],
                idxb[1 - p], sis[1 - p])
        idx_desc[p].wait()
        if out_desc[p] is not None:
            out_desc[p].wait()
        hv = hb[p]
        iv = idxb[p]

        @plsc.parallel_loop(0, NLANE * VH, step=NLANE, unroll=UNROLL)
        def zero_body(c, hv=hv):
            hv[pl.ds(c, NLANE)] = zeros

        @plsc.parallel_loop(0, LK, step=1, unroll=UNROLL)
        def scat_body(l, hv=hv, iv=iv):
            tok = (l + lane) & (LK - 1)
            ids = plsc.load_gather(iv, [lane_lk + tok])
            val = one + (ids >> 10) * jnp.int32(0xFFFF)
            addr = lane_vh + (ids & (VH - 1))
            plsc.addupdate_scatter(hv, [addr], val)
        out_desc[p] = pltpu.async_copy(
            hv, h_hbm.at[pl.ds(gbase * VH, NLANE * VH)], sos[p])

    out_desc[0].wait()
    out_desc[1].wait()


def _matmul_body(h_ref, t_ref, o_ref):
    h = h_ref[...]
    hlo = (h & 0xFFFF).astype(jnp.float32)
    hhi = lax.shift_right_logical(h, 16).astype(jnp.float32)
    acc = jnp.dot(hlo, t_ref[:VH, :], preferred_element_type=jnp.float32)
    acc = acc + jnp.dot(hhi, t_ref[VH:, :],
                        preferred_element_type=jnp.float32)
    o_ref[...] = acc * (1.0 / LK)


_BM = 512

_matmul = pl.pallas_call(
    _matmul_body,
    grid=(B // _BM,),
    in_specs=[
        pl.BlockSpec((_BM, VH), lambda i: (i, 0)),
        pl.BlockSpec((V, D), lambda i: (0, 0)),
    ],
    out_specs=pl.BlockSpec((_BM, D), lambda i: (i, 0)),
    out_shape=jax.ShapeDtypeStruct((B, D), jnp.float32),
    compiler_params=pltpu.CompilerParams(
        dimension_semantics=("arbitrary",),
    ),
)


def kernel(indices, table):
    h = _hist(indices.astype(jnp.int32).reshape(-1))
    return _matmul(h.reshape(B, VH), table)

# --- scband reference (transcript-rebuilt; emitter-appended) ---
"""Pipeline reference for scband-dummy-vision-language-backbone-25993142075523 (READ-ONLY COPY).

The authoritative reference and input builder live on the scoring server;
editing this copy changes nothing except your own understanding.
"""

import jax, jax.numpy as jnp
import numpy as np


def setup_inputs(seed: int = 0) -> dict:
    key = jax.random.key(seed)
    k_idx, k_tab = jax.random.split(key)
    indices = jax.random.randint(k_idx, (4096, 512), 0, 2048, dtype=jnp.int64)
    table = jax.random.normal(k_tab, (2048, 128), dtype=jnp.float32)
    return {"indices": indices, "table": table}


def reference(indices, table):
    # Faithful to DummyVisionLanguageBackbone.encode_prompt:
    # per-prompt token-id lookup into nn.Embedding(2048, hidden_size),
    # then mean over the token dimension, stacked over the batch.
    emb = jnp.take(table, indices, axis=0)  # [B, L, D] gather
    return emb.mean(axis=1)  # [B, D]

if __name__ == "__main__":
    import jax
    _d = setup_inputs()
    print(jax.jit(kernel)(*tuple(_d.values())))

</pallas_src>

<mosaic_0001>
#map = affine_map<(d0, d1) -> (0)>
module attributes {stable_mosaic.version = 14 : i64} {
  func.func @_hist(%arg0: i32, %arg1: i32, %arg2: memref<2097152xi32, #tpu.memory_space<hbm>>, %arg3: memref<4194304xi32, #tpu.memory_space<hbm>>, %arg4: memref<8192xi32, #tpu.memory_space<vmem>>, %arg5: memref<8192xi32, #tpu.memory_space<vmem>>, %arg6: memref<16384xi32, #tpu.memory_space<vmem>>, %arg7: memref<16384xi32, #tpu.memory_space<vmem>>, %arg8: memref<!tpu.dma_semaphore, #tpu.memory_space<semaphore_mem>>, %arg9: memref<!tpu.dma_semaphore, #tpu.memory_space<semaphore_mem>>, %arg10: memref<!tpu.dma_semaphore, #tpu.memory_space<semaphore_mem>>, %arg11: memref<!tpu.dma_semaphore, #tpu.memory_space<semaphore_mem>>) attributes {dimension_semantics = [#tpu.dimension_semantics<core_parallel>, #tpu.dimension_semantics<subcore_parallel>], iteration_bounds = array<i64: 2, 16>, scalar_prefetch = 0 : i64, scratch_operands = 8 : i64, tpu.core_type = #tpu.core_type<sc_vector_subcore>, window_params = [{transform_indices = #map}, {transform_indices = #map}]} {
    %mul3A = arith.constant 2 : i32
    %mul3A_0 = arith.muli %arg1, %mul3A : i32
    %add3A = arith.addi %mul3A_0, %arg0 : i32
    %mul3A_1 = arith.constant 128 : i32
    %mul3A_2 = arith.muli %add3A, %mul3A_1 : i32
    %iota3A = tpu.iota {dimensions = array<i32: 0>} : vector<16xi32>
    %mul3A_3 = arith.constant 512 : i32
    %mul3A_4 = vector.broadcast %mul3A_3 : i32 to vector<16xi32>
    %mul3A_5 = arith.muli %iota3A, %mul3A_4 : vector<16xi32>
    %mul3A_6 = arith.constant 1024 : i32
    %mul3A_7 = vector.broadcast %mul3A_6 : i32 to vector<16xi32>
    %mul3A_8 = arith.muli %iota3A, %mul3A_7 : vector<16xi32>
    %broadcast_in_dim3A = arith.constant 0 : i32
    %broadcast_in_dim3A_9 = vector.broadcast %broadcast_in_dim3A : i32 to vector<16xi32>
    %mul3A_10 = arith.constant 512 : i32
    %mul3A_11 = arith.muli %mul3A_2, %mul3A_10 : i32
    %dma_start3A = tpu.memref_slice %arg2[%mul3A_11] : memref<2097152xi32, #tpu.memory_space<hbm>> -> memref<8192xi32, #tpu.memory_space<hbm>>
    %dma_start3A_12 = tpu.memref_slice %arg2[%mul3A_11] : memref<2097152xi32, #tpu.memory_space<hbm>> -> memref<8192xi32, #tpu.memory_space<hbm>>
    tpu.enqueue_dma source(%dma_start3A_12 : memref<8192xi32, #tpu.memory_space<hbm>>) target(%arg4 : memref<8192xi32, #tpu.memory_space<vmem>>) target_semaphore(%arg8 : memref<!tpu.dma_semaphore, #tpu.memory_space<semaphore_mem>>)
    %add3A_13 = arith.constant 0 : i32
    %add3A_14 = arith.addi %mul3A_2, %add3A_13 : i32
    %add3A_15 = arith.constant 16 : i32
    %add3A_16 = arith.addi %mul3A_2, %add3A_15 : i32
    %mul3A_17 = arith.constant 512 : i32
    %mul3A_18 = arith.muli %add3A_16, %mul3A_17 : i32
    %dma_start3A_19 = tpu.memref_slice %arg2[%mul3A_18] : memref<2097152xi32, #tpu.memory_space<hbm>> -> memref<8192xi32, #tpu.memory_space<hbm>>
    %dma_start3A_20 = tpu.memref_slice %arg2[%mul3A_18] : memref<2097152xi32, #tpu.memory_space<hbm>> -> memref<8192xi32, #tpu.memory_space<hbm>>
    tpu.enqueue_dma source(%dma_start3A_20 : memref<8192xi32, #tpu.memory_space<hbm>>) target(%arg5 : memref<8192xi32, #tpu.memory_space<vmem>>) target_semaphore(%arg9 : memref<!tpu.dma_semaphore, #tpu.memory_space<semaphore_mem>>)
    %dma_wait3A = tpu.memref_slice %arg2[%mul3A_11] : memref<2097152xi32, #tpu.memory_space<hbm>> -> memref<8192xi32, #tpu.memory_space<hbm>>
    %dma_wait3A_21 = tpu.memref_slice %arg2[%mul3A_11] : memref<2097152xi32, #tpu.memory_space<hbm>> -> memref<8192xi32, #tpu.memory_space<hbm>>
    tpu.wait_dma2 semaphore(%arg8 : memref<!tpu.dma_semaphore, #tpu.memory_space<semaphore_mem>>) src(%dma_wait3A_21 : memref<8192xi32, #tpu.memory_space<hbm>>) dst(%arg4 : memref<8192xi32, #tpu.memory_space<vmem>>)
    %parallel_loop3A = arith.constant 0 : i32
    %parallel_loop3A_22 = arith.constant 16384 : i32
    %parallel_loop3A_23 = arith.constant 16 : i32
    scf.for %parallel_loop3A_189 = %parallel_loop3A to %parallel_loop3A_22 step %parallel_loop3A_23  : i32 {
      %parallel_loop3A_190 = arith.index_cast %parallel_loop3A_189 : i32 to index
      %parallel_loop3A_191 = tpu.vector_load %arg6[%parallel_loop3A_190] {strides = array<i32>} : memref<16384xi32, #tpu.memory_space<vmem>>, vector<16xi32>,
      tpu.vector_store %arg6[%parallel_loop3A_190], %broadcast_in_dim3A_9 {strides = array<i32>} : memref<16384xi32, #tpu.memory_space<vmem>>, vector<16xi32>,
    } {sc.loop_unroll_factor = 8 : i64, sc.parallel_access}
    %parallel_loop3A_24 = arith.constant 0 : i32
    %parallel_loop3A_25 = arith.constant 512 : i32
    %parallel_loop3A_26 = arith.constant 1 : i32
    %parallel_loop3A_27 = arith.constant 1 : i32
    scf.for %parallel_loop3A_189 = %parallel_loop3A_24 to %parallel_loop3A_25 step %parallel_loop3A_26  : i32 {
      %parallel_loop3A_190 = vector.broadcast %parallel_loop3A_189 : i32 to vector<16xi32>
      %parallel_loop3A_191 = arith.addi %parallel_loop3A_190, %iota3A : vector<16xi32>
      %parallel_loop3A_192 = arith.constant 511 : i32
      %parallel_loop3A_193 = vector.broadcast %parallel_loop3A_192 : i32 to vector<16xi32>
      %parallel_loop3A_194 = arith.andi %parallel_loop3A_191, %parallel_loop3A_193 : vector<16xi32>
      %parallel_loop3A_195 = arith.addi %mul3A_5, %parallel_loop3A_194 : vector<16xi32>
      %parallel_loop3A_196 = tpu.vector_load_idx %arg4[%parallel_loop3A_195] : memref<8192xi32, #tpu.memory_space<vmem>>[vector<16xi32>], vector<16xi32>,
      %parallel_loop3A_197 = arith.constant 10 : i32
      %parallel_loop3A_198 = vector.broadcast %parallel_loop3A_197 : i32 to vector<16xi32>
      %parallel_loop3A_199 = arith.shrsi %parallel_loop3A_196, %parallel_loop3A_198 : vector<16xi32>
      %parallel_loop3A_200 = arith.constant 65535 : i32
      %parallel_loop3A_201 = vector.broadcast %parallel_loop3A_200 : i32 to vector<16xi32>
      %parallel_loop3A_202 = arith.muli %parallel_loop3A_199, %parallel_loop3A_201 : vector<16xi32>
      %parallel_loop3A_203 = vector.broadcast %parallel_loop3A_27 : i32 to vector<16xi32>
      %parallel_loop3A_204 = arith.addi %parallel_loop3A_203, %parallel_loop3A_202 : vector<16xi32>
      %parallel_loop3A_205 = arith.constant 1023 : i32
      %parallel_loop3A_206 = vector.broadcast %parallel_loop3A_205 : i32 to vector<16xi32>
      %parallel_loop3A_207 = arith.andi %parallel_loop3A_196, %parallel_loop3A_206 : vector<16xi32>
      %parallel_loop3A_208 = arith.addi %mul3A_8, %parallel_loop3A_207 : vector<16xi32>
      tpu.vector_store_idx %arg6[%parallel_loop3A_208], %parallel_loop3A_204 {add = true} : memref<16384xi32, #tpu.memory_space<vmem>>[vector<16xi32>], vector<16xi32>,
    } {sc.loop_unroll_factor = 8 : i64, sc.parallel_access}
    %mul3A_28 = arith.constant 1024 : i32
    %mul3A_29 = arith.muli %add3A_14, %mul3A_28 : i32
    %dma_start3A_30 = tpu.memref_slice %arg3[%mul3A_29] : memref<4194304xi32, #tpu.memory_space<hbm>> -> memref<16384xi32, #tpu.memory_space<hbm>>
    %dma_start3A_31 = tpu.memref_slice %arg3[%mul3A_29] : memref<4194304xi32, #tpu.memory_space<hbm>> -> memref<16384xi32, #tpu.memory_space<hbm>>
    tpu.enqueue_dma source(%arg6 : memref<16384xi32, #tpu.memory_space<vmem>>) target(%dma_start3A_31 : memref<16384xi32, #tpu.memory_space<hbm>>) target_semaphore(%arg10 : memref<!tpu.dma_semaphore, #tpu.memory_space<semaphore_mem>>)
    %add3A_32 = arith.constant 16 : i32
    %add3A_33 = arith.addi %mul3A_2, %add3A_32 : i32
    %add3A_34 = arith.constant 32 : i32
    %add3A_35 = arith.addi %mul3A_2, %add3A_34 : i32
    %mul3A_36 = arith.constant 512 : i32
    %mul3A_37 = arith.muli %add3A_35, %mul3A_36 : i32
    %dma_start3A_38 = tpu.memref_slice %arg2[%mul3A_37] : memref<2097152xi32, #tpu.memory_space<hbm>> -> memref<8192xi32, #tpu.memory_space<hbm>>
    %dma_start3A_39 = tpu.memref_slice %arg2[%mul3A_37] : memref<2097152xi32, #tpu.memory_space<hbm>> -> memref<8192xi32, #tpu.memory_space<hbm>>
    tpu.enqueue_dma source(%dma_start3A_39 : memref<8192xi32, #tpu.memory_space<hbm>>) target(%arg4 : memref<8192xi32, #tpu.memory_space<vmem>>) target_semaphore(%arg8 : memref<!tpu.dma_semaphore, #tpu.memory_space<semaphore_mem>>)
    %dma_wait3A_40 = tpu.memref_slice %arg2[%mul3A_18] : memref<2097152xi32, #tpu.memory_space<hbm>> -> memref<8192xi32, #tpu.memory_space<hbm>>
    %dma_wait3A_41 = tpu.memref_slice %arg2[%mul3A_18] : memref<2097152xi32, #tpu.memory_space<hbm>> -> memref<8192xi32, #tpu.memory_space<hbm>>
    tpu.wait_dma2 semaphore(%arg9 : memref<!tpu.dma_semaphore, #tpu.memory_space<semaphore_mem>>) src(%dma_wait3A_41 : memref<8192xi32, #tpu.memory_space<hbm>>) dst(%arg5 : memref<8192xi32, #tpu.memory_space<vmem>>)
    %parallel_loop3A_42 = arith.constant 0 : i32
    %parallel_loop3A_43 = arith.constant 16384 : i32
    %parallel_loop3A_44 = arith.constant 16 : i32
    scf.for %parallel_loop3A_189 = %parallel_loop3A_42 to %parallel_loop3A_43 step %parallel_loop3A_44  : i32 {
      %parallel_loop3A_190 = arith.index_cast %parallel_loop3A_189 : i32 to index
      %parallel_loop3A_191 = tpu.vector_load %arg7[%parallel_loop3A_190] {strides = array<i32>} : memref<16384xi32, #tpu.memory_space<vmem>>, vector<16xi32>,
      tpu.vector_store %arg7[%parallel_loop3A_190], %broadcast_in_dim3A_9 {strides = array<i32>} : memref<16384xi32, #tpu.memory_space<vmem>>, vector<16xi32>,
    } {sc.loop_unroll_factor = 8 : i64, sc.parallel_access}
    %parallel_loop3A_45 = arith.constant 0 : i32
    %parallel_loop3A_46 = arith.constant 512 : i32
    %parallel_loop3A_47 = arith.constant 1 : i32
    %parallel_loop3A_48 = arith.constant 1 : i32
    scf.for %parallel_loop3A_189 = %parallel_loop3A_45 to %parallel_loop3A_46 step %parallel_loop3A_47  : i32 {
      %parallel_loop3A_190 = vector.broadcast %parallel_loop3A_189 : i32 to vector<16xi32>
      %parallel_loop3A_191 = arith.addi %parallel_loop3A_190, %iota3A : vector<16xi32>
      %parallel_loop3A_192 = arith.constant 511 : i32
      %parallel_loop3A_193 = vector.broadcast %parallel_loop3A_192 : i32 to vector<16xi32>
      %parallel_loop3A_194 = arith.andi %parallel_loop3A_191, %parallel_loop3A_193 : vector<16xi32>
      %parallel_loop3A_195 = arith.addi %mul3A_5, %parallel_loop3A_194 : vector<16xi32>
      %parallel_loop3A_196 = tpu.vector_load_idx %arg5[%parallel_loop3A_195] : memref<8192xi32, #tpu.memory_space<vmem>>[vector<16xi32>], vector<16xi32>,
      %parallel_loop3A_197 = arith.constant 10 : i32
      %parallel_loop3A_198 = vector.broadcast %parallel_loop3A_197 : i32 to vector<16xi32>
      %parallel_loop3A_199 = arith.shrsi %parallel_loop3A_196, %parallel_loop3A_198 : vector<16xi32>
      %parallel_loop3A_200 = arith.constant 65535 : i32
      %parallel_loop3A_201 = vector.broadcast %parallel_loop3A_200 : i32 to vector<16xi32>
      %parallel_loop3A_202 = arith.muli %parallel_loop3A_199, %parallel_loop3A_201 : vector<16xi32>
      %parallel_loop3A_203 = vector.broadcast %parallel_loop3A_48 : i32 to vector<16xi32>
      %parallel_loop3A_204 = arith.addi %parallel_loop3A_203, %parallel_loop3A_202 : vector<16xi32>
      %parallel_loop3A_205 = arith.constant 1023 : i32
      %parallel_loop3A_206 = vector.broadcast %parallel_loop3A_205 : i32 to vector<16xi32>
      %parallel_loop3A_207 = arith.andi %parallel_loop3A_196, %parallel_loop3A_206 : vector<16xi32>
      %parallel_loop3A_208 = arith.addi %mul3A_8, %parallel_loop3A_207 : vector<16xi32>
      tpu.vector_store_idx %arg7[%parallel_loop3A_208], %parallel_loop3A_204 {add = true} : memref<16384xi32, #tpu.memory_space<vmem>>[vector<16xi32>], vector<16xi32>,
    } {sc.loop_unroll_factor = 8 : i64, sc.parallel_access}
    %mul3A_49 = arith.constant 1024 : i32
    %mul3A_50 = arith.muli %add3A_33, %mul3A_49 : i32
    %dma_start3A_51 = tpu.memref_slice %arg3[%mul3A_50] : memref<4194304xi32, #tpu.memory_space<hbm>> -> memref<16384xi32, #tpu.memory_space<hbm>>
    %dma_start3A_52 = tpu.memref_slice %arg3[%mul3A_50] : memref<4194304xi32, #tpu.memory_space<hbm>> -> memref<16384xi32, #tpu.memory_space<hbm>>
    tpu.enqueue_dma source(%arg7 : memref<16384xi32, #tpu.memory_space<vmem>>) target(%dma_start3A_52 : memref<16384xi32, #tpu.memory_space<hbm>>) target_semaphore(%arg11 : memref<!tpu.dma_semaphore, #tpu.memory_space<semaphore_mem>>)
    %add3A_53 = arith.constant 32 : i32
    %add3A_54 = arith.addi %mul3A_2, %add3A_53 : i32
    %add3A_55 = arith.constant 48 : i32
    %add3A_56 = arith.addi %mul3A_2, %add3A_55 : i32
    %mul3A_57 = arith.constant 512 : i32
    %mul3A_58 = arith.muli %add3A_56, %mul3A_57 : i32
    %dma_start3A_59 = tpu.memref_slice %arg2[%mul3A_58] : memref<2097152xi32, #tpu.memory_space<hbm>> -> memref<8192xi32, #tpu.memory_space<hbm>>
    %dma_start3A_60 = tpu.memref_slice %arg2[%mul3A_58] : memref<2097152xi32, #tpu.memory_space<hbm>> -> memref<8192xi32, #tpu.memory_space<hbm>>
    tpu.enqueue_dma source(%dma_start3A_60 : memref<8192xi32, #tpu.memory_space<hbm>>) target(%arg5 : memref<8192xi32, #tpu.memory_space<vmem>>) target_semaphore(%arg9 : memref<!tpu.dma_semaphore, #tpu.memory_space<semaphore_mem>>)
    %dma_wait3A_61 = tpu.memref_slice %arg2[%mul3A_37] : memref<2097152xi32, #tpu.memory_space<hbm>> -> memref<8192xi32, #tpu.memory_space<hbm>>
    %dma_wait3A_62 = tpu.memref_slice %arg2[%mul3A_37] : memref<2097152xi32, #tpu.memory_space<hbm>> -> memref<8192xi32, #tpu.memory_space<hbm>>
    tpu.wait_dma2 semaphore(%arg8 : memref<!tpu.dma_semaphore, #tpu.memory_space<semaphore_mem>>) src(%dma_wait3A_62 : memref<8192xi32, #tpu.memory_space<hbm>>) dst(%arg4 : memref<8192xi32, #tpu.memory_space<vmem>>)
    %dma_wait3A_63 = tpu.memref_slice %arg3[%mul3A_29] : memref<4194304xi32, #tpu.memory_space<hbm>> -> memref<16384xi32, #tpu.memory_space<hbm>>
    %dma_wait3A_64 = tpu.memref_slice %arg3[%mul3A_29] : memref<4194304xi32, #tpu.memory_space<hbm>> -> memref<16384xi32, #tpu.memory_space<hbm>>
    tpu.wait_dma2 semaphore(%arg10 : memref<!tpu.dma_semaphore, #tpu.memory_space<semaphore_mem>>) src(%arg6 : memref<16384xi32, #tpu.memory_space<vmem>>) dst(%dma_wait3A_64 : memref<16384xi32, #tpu.memory_space<hbm>>)
    %parallel_loop3A_65 = arith.constant 0 : i32
    %parallel_loop3A_66 = arith.constant 16384 : i32
    %parallel_loop3A_67 = arith.constant 16 : i32
    scf.for %parallel_loop3A_189 = %parallel_loop3A_65 to %parallel_loop3A_66 step %parallel_loop3A_67  : i32 {
      %parallel_loop3A_190 = arith.index_cast %parallel_loop3A_189 : i32 to index
      %parallel_loop3A_191 = tpu.vector_load %arg6[%parallel_loop3A_190] {strides = array<i32>} : memref<16384xi32, #tpu.memory_space<vmem>>, vector<16xi32>,
      tpu.vector_store %arg6[%parallel_loop3A_190], %broadcast_in_dim3A_9 {strides = array<i32>} : memref<16384xi32, #tpu.memory_space<vmem>>, vector<16xi32>,
    } {sc.loop_unroll_factor = 8 : i64, sc.parallel_access}
    %parallel_loop3A_68 = arith.constant 0 : i32
    %parallel_loop3A_69 = arith.constant 512 : i32
    %parallel_loop3A_70 = arith.constant 1 : i32
    %parallel_loop3A_71 = arith.constant 1 : i32
    scf.for %parallel_loop3A_189 = %parallel_loop3A_68 to %parallel_loop3A_69 step %parallel_loop3A_70  : i32 {
      %parallel_loop3A_190 = vector.broadcast %parallel_loop3A_189 : i32 to vector<16xi32>
      %parallel_loop3A_191 = arith.addi %parallel_loop3A_190, %iota3A : vector<16xi32>
      %parallel_loop3A_192 = arith.constant 511 : i32
      %parallel_loop3A_193 = vector.broadcast %parallel_loop3A_192 : i32 to vector<16xi32>
      %parallel_loop3A_194 = arith.andi %parallel_loop3A_191, %parallel_loop3A_193 : vector<16xi32>
      %parallel_loop3A_195 = arith.addi %mul3A_5, %parallel_loop3A_194 : vector<16xi32>
      %parallel_loop3A_196 = tpu.vector_load_idx %arg4[%parallel_loop3A_195] : memref<8192xi32, #tpu.memory_space<vmem>>[vector<16xi32>], vector<16xi32>,
      %parallel_loop3A_197 = arith.constant 10 : i32
      %parallel_loop3A_198 = vector.broadcast %parallel_loop3A_197 : i32 to vector<16xi32>
      %parallel_loop3A_199 = arith.shrsi %parallel_loop3A_196, %parallel_loop3A_198 : vector<16xi32>
      %parallel_loop3A_200 = arith.constant 65535 : i32
      %parallel_loop3A_201 = vector.broadcast %parallel_loop3A_200 : i32 to vector<16xi32>
      %parallel_loop3A_202 = arith.muli %parallel_loop3A_199, %parallel_loop3A_201 : vector<16xi32>
      %parallel_loop3A_203 = vector.broadcast %parallel_loop3A_71 : i32 to vector<16xi32>
      %parallel_loop3A_204 = arith.addi %parallel_loop3A_203, %parallel_loop3A_202 : vector<16xi32>
      %parallel_loop3A_205 = arith.constant 1023 : i32
      %parallel_loop3A_206 = vector.broadcast %parallel_loop3A_205 : i32 to vector<16xi32>
      %parallel_loop3A_207 = arith.andi %parallel_loop3A_196, %parallel_loop3A_206 : vector<16xi32>
      %parallel_loop3A_208 = arith.addi %mul3A_8, %parallel_loop3A_207 : vector<16xi32>
      tpu.vector_store_idx %arg6[%parallel_loop3A_208], %parallel_loop3A_204 {add = true} : memref<16384xi32, #tpu.memory_space<vmem>>[vector<16xi32>], vector<16xi32>,
    } {sc.loop_unroll_factor = 8 : i64, sc.parallel_access}
    %mul3A_72 = arith.constant 1024 : i32
    %mul3A_73 = arith.muli %add3A_54, %mul3A_72 : i32
    %dma_start3A_74 = tpu.memref_slice %arg3[%mul3A_73] : memref<4194304xi32, #tpu.memory_space<hbm>> -> memref<16384xi32, #tpu.memory_space<hbm>>
    %dma_start3A_75 = tpu.memref_slice %arg3[%mul3A_73] : memref<4194304xi32, #tpu.memory_space<hbm>> -> memref<16384xi32, #tpu.memory_space<hbm>>
    tpu.enqueue_dma source(%arg6 : memref<16384xi32, #tpu.memory_space<vmem>>) target(%dma_start3A_75 : memref<16384xi32, #tpu.memory_space<hbm>>) target_semaphore(%arg10 : memref<!tpu.dma_semaphore, #tpu.memory_space<semaphore_mem>>)
    %add3A_76 = arith.constant 48 : i32
    %add3A_77 = arith.addi %mul3A_2, %add3A_76 : i32
    %add3A_78 = arith.constant 64 : i32
    %add3A_79 = arith.addi %mul3A_2, %add3A_78 : i32
    %mul3A_80 = arith.constant 512 : i32
    %mul3A_81 = arith.muli %add3A_79, %mul3A_80 : i32
    %dma_start3A_82 = tpu.memref_slice %arg2[%mul3A_81] : memref<2097152xi32, #tpu.memory_space<hbm>> -> memref<8192xi32, #tpu.memory_space<hbm>>
    %dma_start3A_83 = tpu.memref_slice %arg2[%mul3A_81] : memref<2097152xi32, #tpu.memory_space<hbm>> -> memref<8192xi32, #tpu.memory_space<hbm>>
    tpu.enqueue_dma source(%dma_start3A_83 : memref<8192xi32, #tpu.memory_space<hbm>>) target(%arg4 : memref<8192xi32, #tpu.memory_space<vmem>>) target_semaphore(%arg8 : memref<!tpu.dma_semaphore, #tpu.memory_space<semaphore_mem>>)
    %dma_wait3A_84 = tpu.memref_slice %arg2[%mul3A_58] : memref<2097152xi32, #tpu.memory_space<hbm>> -> memref<8192xi32, #tpu.memory_space<hbm>>
    %dma_wait3A_85 = tpu.memref_slice %arg2[%mul3A_58] : memref<2097152xi32, #tpu.memory_space<hbm>> -> memref<8192xi32, #tpu.memory_space<hbm>>
    tpu.wait_dma2 semaphore(%arg9 : memref<!tpu.dma_semaphore, #tpu.memory_space<semaphore_mem>>) src(%dma_wait3A_85 : memref<8192xi32, #tpu.memory_space<hbm>>) dst(%arg5 : memref<8192xi32, #tpu.memory_space<vmem>>)
    %dma_wait3A_86 = tpu.memref_slice %arg3[%mul3A_50] : memref<4194304xi32, #tpu.memory_space<hbm>> -> memref<16384xi32, #tpu.memory_space<hbm>>
    %dma_wait3A_87 = tpu.memref_slice %arg3[%mul3A_50] : memref<4194304xi32, #tpu.memory_space<hbm>> -> memref<16384xi32, #tpu.memory_space<hbm>>
    tpu.wait_dma2 semaphore(%arg11 : memref<!tpu.dma_semaphore, #tpu.memory_space<semaphore_mem>>) src(%arg7 : memref<16384xi32, #tpu.memory_space<vmem>>) dst(%dma_wait3A_87 : memref<16384xi32, #tpu.memory_space<hbm>>)
    %parallel_loop3A_88 = arith.constant 0 : i32
    %parallel_loop3A_89 = arith.constant 16384 : i32
    %parallel_loop3A_90 = arith.constant 16 : i32
    scf.for %parallel_loop3A_189 = %parallel_loop3A_88 to %parallel_loop3A_89 step %parallel_loop3A_90  : i32 {
      %parallel_loop3A_190 = arith.index_cast %parallel_loop3A_189 : i32 to index
      %parallel_loop3A_191 = tpu.vector_load %arg7[%parallel_loop3A_190] {strides = array<i32>} : memref<16384xi32, #tpu.memory_space<vmem>>, vector<16xi32>,
      tpu.vector_store %arg7[%parallel_loop3A_190], %broadcast_in_dim3A_9 {strides = array<i32>} : memref<16384xi32, #tpu.memory_space<vmem>>, vector<16xi32>,
    } {sc.loop_unroll_factor = 8 : i64, sc.parallel_access}
    %parallel_loop3A_91 = arith.constant 0 : i32
    %parallel_loop3A_92 = arith.constant 512 : i32
    %parallel_loop3A_93 = arith.constant 1 : i32
    %parallel_loop3A_94 = arith.constant 1 : i32
    scf.for %parallel_loop3A_189 = %parallel_loop3A_91 to %parallel_loop3A_92 step %parallel_loop3A_93  : i32 {
      %parallel_loop3A_190 = vector.broadcast %parallel_loop3A_189 : i32 to vector<16xi32>
      %parallel_loop3A_191 = arith.addi %parallel_loop3A_190, %iota3A : vector<16xi32>
      %parallel_loop3A_192 = arith.constant 511 : i32
      %parallel_loop3A_193 = vector.broadcast %parallel_loop3A_192 : i32 to vector<16xi32>
      %parallel_loop3A_194 = arith.andi %parallel_loop3A_191, %parallel_loop3A_193 : vector<16xi32>
      %parallel_loop3A_195 = arith.addi %mul3A_5, %parallel_loop3A_194 : vector<16xi32>
      %parallel_loop3A_196 = tpu.vector_load_idx %arg5[%parallel_loop3A_195] : memref<8192xi32, #tpu.memory_space<vmem>>[vector<16xi32>], vector<16xi32>,
      %parallel_loop3A_197 = arith.constant 10 : i32
      %parallel_loop3A_198 = vector.broadcast %parallel_loop3A_197 : i32 to vector<16xi32>
      %parallel_loop3A_199 = arith.shrsi %parallel_loop3A_196, %parallel_loop3A_198 : vector<16xi32>
      %parallel_loop3A_200 = arith.constant 65535 : i32
      %parallel_loop3A_201 = vector.broadcast %parallel_loop3A_200 : i32 to vector<16xi32>
      %parallel_loop3A_202 = arith.muli %parallel_loop3A_199, %parallel_loop3A_201 : vector<16xi32>
      %parallel_loop3A_203 = vector.broadcast %parallel_loop3A_94 : i32 to vector<16xi32>
      %parallel_loop3A_204 = arith.addi %parallel_loop3A_203, %parallel_loop3A_202 : vector<16xi32>
      %parallel_loop3A_205 = arith.constant 1023 : i32
      %parallel_loop3A_206 = vector.broadcast %parallel_loop3A_205 : i32 to vector<16xi32>
      %parallel_loop3A_207 = arith.andi %parallel_loop3A_196, %parallel_loop3A_206 : vector<16xi32>
      %parallel_loop3A_208 = arith.addi %mul3A_8, %parallel_loop3A_207 : vector<16xi32>
      tpu.vector_store_idx %arg7[%parallel_loop3A_208], %parallel_loop3A_204 {add = true} : memref<16384xi32, #tpu.memory_space<vmem>>[vector<16xi32>], vector<16xi32>,
    } {sc.loop_unroll_factor = 8 : i64, sc.parallel_access}
    %mul3A_95 = arith.constant 1024 : i32
    %mul3A_96 = arith.muli %add3A_77, %mul3A_95 : i32
    %dma_start3A_97 = tpu.memref_slice %arg3[%mul3A_96] : memref<4194304xi32, #tpu.memory_space<hbm>> -> memref<16384xi32, #tpu.memory_space<hbm>>
    %dma_start3A_98 = tpu.memref_slice %arg3[%mul3A_96] : memref<4194304xi32, #tpu.memory_space<hbm>> -> memref<16384xi32, #tpu.memory_space<hbm>>
    tpu.enqueue_dma source(%arg7 : memref<16384xi32, #tpu.memory_space<vmem>>) target(%dma_start3A_98 : memref<16384xi32, #tpu.memory_space<hbm>>) target_semaphore(%arg11 : memref<!tpu.dma_semaphore, #tpu.memory_space<semaphore_mem>>)
    %add3A_99 = arith.constant 64 : i32
    %add3A_100 = arith.addi %mul3A_2, %add3A_99 : i32
    %add3A_101 = arith.constant 80 : i32
    %add3A_102 = arith.addi %mul3A_2, %add3A_101 : i32
    %mul3A_103 = arith.constant 512 : i32
    %mul3A_104 = arith.muli %add3A_102, %mul3A_103 : i32
    %dma_start3A_105 = tpu.memref_slice %arg2[%mul3A_104] : memref<2097152xi32, #tpu.memory_space<hbm>> -> memref<8192xi32, #tpu.memory_space<hbm>>
    %dma_start3A_106 = tpu.memref_slice %arg2[%mul3A_104] : memref<2097152xi32, #tpu.memory_space<hbm>> -> memref<8192xi32, #tpu.memory_space<hbm>>
    tpu.enqueue_dma source(%dma_start3A_106 : memref<8192xi32, #tpu.memory_space<hbm>>) target(%arg5 : memref<8192xi32, #tpu.memory_space<vmem>>) target_semaphore(%arg9 : memref<!tpu.dma_semaphore, #tpu.memory_space<semaphore_mem>>)
    %dma_wait3A_107 = tpu.memref_slice %arg2[%mul3A_81] : memref<2097152xi32, #tpu.memory_space<hbm>> -> memref<8192xi32, #tpu.memory_space<hbm>>
    %dma_wait3A_108 = tpu.memref_slice %arg2[%mul3A_81] : memref<2097152xi32, #tpu.memory_space<hbm>> -> memref<8192xi32, #tpu.memory_space<hbm>>
    tpu.wait_dma2 semaphore(%arg8 : memref<!tpu.dma_semaphore, #tpu.memory_space<semaphore_mem>>) src(%dma_wait3A_108 : memref<8192xi32, #tpu.memory_space<hbm>>) dst(%arg4 : memref<8192xi32, #tpu.memory_space<vmem>>)
    %dma_wait3A_109 = tpu.memref_slice %arg3[%mul3A_73] : memref<4194304xi32, #tpu.memory_space<hbm>> -> memref<16384xi32, #tpu.memory_space<hbm>>
    %dma_wait3A_110 = tpu.memref_slice %arg3[%mul3A_73] : memref<4194304xi32, #tpu.memory_space<hbm>> -> memref<16384xi32, #tpu.memory_space<hbm>>
    tpu.wait_dma2 semaphore(%arg10 : memref<!tpu.dma_semaphore, #tpu.memory_space<semaphore_mem>>) src(%arg6 : memref<16384xi32, #tpu.memory_space<vmem>>) dst(%dma_wait3A_110 : memref<16384xi32, #tpu.memory_space<hbm>>)
    %parallel_loop3A_111 = arith.constant 0 : i32
    %parallel_loop3A_112 = arith.constant 16384 : i32
    %parallel_loop3A_113 = arith.constant 16 : i32
    scf.for %parallel_loop3A_189 = %parallel_loop3A_111 to %parallel_loop3A_112 step %parallel_loop3A_113  : i32 {
      %parallel_loop3A_190 = arith.index_cast %parallel_loop3A_189 : i32 to index
      %parallel_loop3A_191 = tpu.vector_load %arg6[%parallel_loop3A_190] {strides = array<i32>} : memref<16384xi32, #tpu.memory_space<vmem>>, vector<16xi32>,
      tpu.vector_store %arg6[%parallel_loop3A_190], %broadcast_in_dim3A_9 {strides = array<i32>} : memref<16384xi32, #tpu.memory_space<vmem>>, vector<16xi32>,
    } {sc.loop_unroll_factor = 8 : i64, sc.parallel_access}
    %parallel_loop3A_114 = arith.constant 0 : i32
    %parallel_loop3A_115 = arith.constant 512 : i32
    %parallel_loop3A_116 = arith.constant 1 : i32
    %parallel_loop3A_117 = arith.constant 1 : i32
    scf.for %parallel_loop3A_189 = %parallel_loop3A_114 to %parallel_loop3A_115 step %parallel_loop3A_116  : i32 {
      %parallel_loop3A_190 = vector.broadcast %parallel_loop3A_189 : i32 to vector<16xi32>
      %parallel_loop3A_191 = arith.addi %parallel_loop3A_190, %iota3A : vector<16xi32>
      %parallel_loop3A_192 = arith.constant 511 : i32
      %parallel_loop3A_193 = vector.broadcast %parallel_loop3A_192 : i32 to vector<16xi32>
      %parallel_loop3A_194 = arith.andi %parallel_loop3A_191, %parallel_loop3A_193 : vector<16xi32>
      %parallel_loop3A_195 = arith.addi %mul3A_5, %parallel_loop3A_194 : vector<16xi32>
      %parallel_loop3A_196 = tpu.vector_load_idx %arg4[%parallel_loop3A_195] : memref<8192xi32, #tpu.memory_space<vmem>>[vector<16xi32>], vector<16xi32>,
      %parallel_loop3A_197 = arith.constant 10 : i32
      %parallel_loop3A_198 = vector.broadcast %parallel_loop3A_197 : i32 to vector<16xi32>
      %parallel_loop3A_199 = arith.shrsi %parallel_loop3A_196, %parallel_loop3A_198 : vector<16xi32>
      %parallel_loop3A_200 = arith.constant 65535 : i32
      %parallel_loop3A_201 = vector.broadcast %parallel_loop3A_200 : i32 to vector<16xi32>
      %parallel_loop3A_202 = arith.muli %parallel_loop3A_199, %parallel_loop3A_201 : vector<16xi32>
      %parallel_loop3A_203 = vector.broadcast %parallel_loop3A_117 : i32 to vector<16xi32>
      %parallel_loop3A_204 = arith.addi %parallel_loop3A_203, %parallel_loop3A_202 : vector<16xi32>
      %parallel_loop3A_205 = arith.constant 1023 : i32
      %parallel_loop3A_206 = vector.broadcast %parallel_loop3A_205 : i32 to vector<16xi32>
      %parallel_loop3A_207 = arith.andi %parallel_loop3A_196, %parallel_loop3A_206 : vector<16xi32>
      %parallel_loop3A_208 = arith.addi %mul3A_8, %parallel_loop3A_207 : vector<16xi32>
      tpu.vector_store_idx %arg6[%parallel_loop3A_208], %parallel_loop3A_204 {add = true} : memref<16384xi32, #tpu.memory_space<vmem>>[vector<16xi32>], vector<16xi32>,
    } {sc.loop_unroll_factor = 8 : i64, sc.parallel_access}
    %mul3A_118 = arith.constant 1024 : i32
    %mul3A_119 = arith.muli %add3A_100, %mul3A_118 : i32
    %dma_start3A_120 = tpu.memref_slice %arg3[%mul3A_119] : memref<4194304xi32, #tpu.memory_space<hbm>> -> memref<16384xi32, #tpu.memory_space<hbm>>
    %dma_start3A_121 = tpu.memref_slice %arg3[%mul3A_119] : memref<4194304xi32, #tpu.memory_space<hbm>> -> memref<16384xi32, #tpu.memory_space<hbm>>
    tpu.enqueue_dma source(%arg6 : memref<16384xi32, #tpu.memory_space<vmem>>) target(%dma_start3A_121 : memref<16384xi32, #tpu.memory_space<hbm>>) target_semaphore(%arg10 : memref<!tpu.dma_semaphore, #tpu.memory_space<semaphore_mem>>)
    %add3A_122 = arith.constant 80 : i32
    %add3A_123 = arith.addi %mul3A_2, %add3A_122 : i32
    %add3A_124 = arith.constant 96 : i32
    %add3A_125 = arith.addi %mul3A_2, %add3A_124 : i32
    %mul3A_126 = arith.constant 512 : i32
    %mul3A_127 = arith.muli %add3A_125, %mul3A_126 : i32
    %dma_start3A_128 = tpu.memref_slice %arg2[%mul3A_127] : memref<2097152xi32, #tpu.memory_space<hbm>> -> memref<8192xi32, #tpu.memory_space<hbm>>
    %dma_start3A_129 = tpu.memref_slice %arg2[%mul3A_127] : memref<2097152xi32, #tpu.memory_space<hbm>> -> memref<8192xi32, #tpu.memory_space<hbm>>
    tpu.enqueue_dma source(%dma_start3A_129 : memref<8192xi32, #tpu.memory_space<hbm>>) target(%arg4 : memref<8192xi32, #tpu.memory_space<vmem>>) target_semaphore(%arg8 : memref<!tpu.dma_semaphore, #tpu.memory_space<semaphore_mem>>)
    %dma_wait3A_130 = tpu.memref_slice %arg2[%mul3A_104] : memref<2097152xi32, #tpu.memory_space<hbm>> -> memref<8192xi32, #tpu.memory_space<hbm>>
    %dma_wait3A_131 = tpu.memref_slice %arg2[%mul3A_104] : memref<2097152xi32, #tpu.memory_space<hbm>> -> memref<8192xi32, #tpu.memory_space<hbm>>
    tpu.wait_dma2 semaphore(%arg9 : memref<!tpu.dma_semaphore, #tpu.memory_space<semaphore_mem>>) src(%dma_wait3A_131 : memref<8192xi32, #tpu.memory_space<hbm>>) dst(%arg5 : memref<8192xi32, #tpu.memory_space<vmem>>)
    %dma_wait3A_132 = tpu.memref_slice %arg3[%mul3A_96] : memref<4194304xi32, #tpu.memory_space<hbm>> -> memref<16384xi32, #tpu.memory_space<hbm>>
    %dma_wait3A_133 = tpu.memref_slice %arg3[%mul3A_96] : memref<4194304xi32, #tpu.memory_space<hbm>> -> memref<16384xi32, #tpu.memory_space<hbm>>
    tpu.wait_dma2 semaphore(%arg11 : memref<!tpu.dma_semaphore, #tpu.memory_space<semaphore_mem>>) src(%arg7 : memref<16384xi32, #tpu.memory_space<vmem>>) dst(%dma_wait3A_133 : memref<16384xi32, #tpu.memory_space<hbm>>)
    %parallel_loop3A_134 = arith.constant 0 : i32
    %parallel_loop3A_135 = arith.constant 16384 : i32
    %parallel_loop3A_136 = arith.constant 16 : i32
    scf.for %parallel_loop3A_189 = %parallel_loop3A_134 to %parallel_loop3A_135 step %parallel_loop3A_136  : i32 {
      %parallel_loop3A_190 = arith.index_cast %parallel_loop3A_189 : i32 to index
      %parallel_loop3A_191 = tpu.vector_load %arg7[%parallel_loop3A_190] {strides = array<i32>} : memref<16384xi32, #tpu.memory_space<vmem>>, vector<16xi32>,
      tpu.vector_store %arg7[%parallel_loop3A_190], %broadcast_in_dim3A_9 {strides = array<i32>} : memref<16384xi32, #tpu.memory_space<vmem>>, vector<16xi32>,
    } {sc.loop_unroll_factor = 8 : i64, sc.parallel_access}
    %parallel_loop3A_137 = arith.constant 0 : i32
    %parallel_loop3A_138 = arith.constant 512 : i32
    %parallel_loop3A_139 = arith.constant 1 : i32
    %parallel_loop3A_140 = arith.constant 1 : i32
    scf.for %parallel_loop3A_189 = %parallel_loop3A_137 to %parallel_loop3A_138 step %parallel_loop3A_139  : i32 {
      %parallel_loop3A_190 = vector.broadcast %parallel_loop3A_189 : i32 to vector<16xi32>
      %parallel_loop3A_191 = arith.addi %parallel_loop3A_190, %iota3A : vector<16xi32>
      %parallel_loop3A_192 = arith.constant 511 : i32
      %parallel_loop3A_193 = vector.broadcast %parallel_loop3A_192 : i32 to vector<16xi32>
      %parallel_loop3A_194 = arith.andi %parallel_loop3A_191, %parallel_loop3A_193 : vector<16xi32>
      %parallel_loop3A_195 = arith.addi %mul3A_5, %parallel_loop3A_194 : vector<16xi32>
      %parallel_loop3A_196 = tpu.vector_load_idx %arg5[%parallel_loop3A_195] : memref<8192xi32, #tpu.memory_space<vmem>>[vector<16xi32>], vector<16xi32>,
      %parallel_loop3A_197 = arith.constant 10 : i32
      %parallel_loop3A_198 = vector.broadcast %parallel_loop3A_197 : i32 to vector<16xi32>
      %parallel_loop3A_199 = arith.shrsi %parallel_loop3A_196, %parallel_loop3A_198 : vector<16xi32>
      %parallel_loop3A_200 = arith.constant 65535 : i32
      %parallel_loop3A_201 = vector.broadcast %parallel_loop3A_200 : i32 to vector<16xi32>
      %parallel_loop3A_202 = arith.muli %parallel_loop3A_199, %parallel_loop3A_201 : vector<16xi32>
      %parallel_loop3A_203 = vector.broadcast %parallel_loop3A_140 : i32 to vector<16xi32>
      %parallel_loop3A_204 = arith.addi %parallel_loop3A_203, %parallel_loop3A_202 : vector<16xi32>
      %parallel_loop3A_205 = arith.constant 1023 : i32
      %parallel_loop3A_206 = vector.broadcast %parallel_loop3A_205 : i32 to vector<16xi32>
      %parallel_loop3A_207 = arith.andi %parallel_loop3A_196, %parallel_loop3A_206 : vector<16xi32>
      %parallel_loop3A_208 = arith.addi %mul3A_8, %parallel_loop3A_207 : vector<16xi32>
      tpu.vector_store_idx %arg7[%parallel_loop3A_208], %parallel_loop3A_204 {add = true} : memref<16384xi32, #tpu.memory_space<vmem>>[vector<16xi32>], vector<16xi32>,
    } {sc.loop_unroll_factor = 8 : i64, sc.parallel_access}
    %mul3A_141 = arith.constant 1024 : i32
    %mul3A_142 = arith.muli %add3A_123, %mul3A_141 : i32
    %dma_start3A_143 = tpu.memref_slice %arg3[%mul3A_142] : memref<4194304xi32, #tpu.memory_space<hbm>> -> memref<16384xi32, #tpu.memory_space<hbm>>
    %dma_start3A_144 = tpu.memref_slice %arg3[%mul3A_142] : memref<4194304xi32, #tpu.memory_space<hbm>> -> memref<16384xi32, #tpu.memory_space<hbm>>
    tpu.enqueue_dma source(%arg7 : memref<16384xi32, #tpu.memory_space<vmem>>) target(%dma_start3A_144 : memref<16384xi32, #tpu.memory_space<hbm>>) target_semaphore(%arg11 : memref<!tpu.dma_semaphore, #tpu.memory_space<semaphore_mem>>)
    %add3A_145 = arith.constant 96 : i32
    %add3A_146 = arith.addi %mul3A_2, %add3A_145 : i32
    %add3A_147 = arith.constant 112 : i32
    %add3A_148 = arith.addi %mul3A_2, %add3A_147 : i32
    %mul3A_149 = arith.constant 512 : i32
    %mul3A_150 = arith.muli %add3A_148, %mul3A_149 : i32
    %dma_start3A_151 = tpu.memref_slice %arg2[%mul3A_150] : memref<2097152xi32, #tpu.memory_space<hbm>> -> memref<8192xi32, #tpu.memory_space<hbm>>
    %dma_start3A_152 = tpu.memref_slice %arg2[%mul3A_150] : memref<2097152xi32, #tpu.memory_space<hbm>> -> memref<8192xi32, #tpu.memory_space<hbm>>
    tpu.enqueue_dma source(%dma_start3A_152 : memref<8192xi32, #tpu.memory_space<hbm>>) target(%arg5 : memref<8192xi32, #tpu.memory_space<vmem>>) target_semaphore(%arg9 : memref<!tpu.dma_semaphore, #tpu.memory_space<semaphore_mem>>)
    %dma_wait3A_153 = tpu.memref_slice %arg2[%mul3A_127] : memref<2097152xi32, #tpu.memory_space<hbm>> -> memref<8192xi32, #tpu.memory_space<hbm>>
    %dma_wait3A_154 = tpu.memref_slice %arg2[%mul3A_127] : memref<2097152xi32, #tpu.memory_space<hbm>> -> memref<8192xi32, #tpu.memory_space<hbm>>
    tpu.wait_dma2 semaphore(%arg8 : memref<!tpu.dma_semaphore, #tpu.memory_space<semaphore_mem>>) src(%dma_wait3A_154 : memref<8192xi32, #tpu.memory_space<hbm>>) dst(%arg4 : memref<8192xi32, #tpu.memory_space<vmem>>)
    %dma_wait3A_155 = tpu.memref_slice %arg3[%mul3A_119] : memref<4194304xi32, #tpu.memory_space<hbm>> -> memref<16384xi32, #tpu.memory_space<hbm>>
    %dma_wait3A_156 = tpu.memref_slice %arg3[%mul3A_119] : memref<4194304xi32, #tpu.memory_space<hbm>> -> memref<16384xi32, #tpu.memory_space<hbm>>
    tpu.wait_dma2 semaphore(%arg10 : memref<!tpu.dma_semaphore, #tpu.memory_space<semaphore_mem>>) src(%arg6 : memref<16384xi32, #tpu.memory_space<vmem>>) dst(%dma_wait3A_156 : memref<16384xi32, #tpu.memory_space<hbm>>)
    %parallel_loop3A_157 = arith.constant 0 : i32
    %parallel_loop3A_158 = arith.constant 16384 : i32
    %parallel_loop3A_159 = arith.constant 16 : i32
    scf.for %parallel_loop3A_189 = %parallel_loop3A_157 to %parallel_loop3A_158 step %parallel_loop3A_159  : i32 {
      %parallel_loop3A_190 = arith.index_cast %parallel_loop3A_189 : i32 to index
      %parallel_loop3A_191 = tpu.vector_load %arg6[%parallel_loop3A_190] {strides = array<i32>} : memref<16384xi32, #tpu.memory_space<vmem>>, vector<16xi32>,
      tpu.vector_store %arg6[%parallel_loop3A_190], %broadcast_in_dim3A_9 {strides = array<i32>} : memref<16384xi32, #tpu.memory_space<vmem>>, vector<16xi32>,
    } {sc.loop_unroll_factor = 8 : i64, sc.parallel_access}
    %parallel_loop3A_160 = arith.constant 0 : i32
    %parallel_loop3A_161 = arith.constant 512 : i32
    %parallel_loop3A_162 = arith.constant 1 : i32
    %parallel_loop3A_163 = arith.constant 1 : i32
    scf.for %parallel_loop3A_189 = %parallel_loop3A_160 to %parallel_loop3A_161 step %parallel_loop3A_162  : i32 {
      %parallel_loop3A_190 = vector.broadcast %parallel_loop3A_189 : i32 to vector<16xi32>
      %parallel_loop3A_191 = arith.addi %parallel_loop3A_190, %iota3A : vector<16xi32>
      %parallel_loop3A_192 = arith.constant 511 : i32
      %parallel_loop3A_193 = vector.broadcast %parallel_loop3A_192 : i32 to vector<16xi32>
      %parallel_loop3A_194 = arith.andi %parallel_loop3A_191, %parallel_loop3A_193 : vector<16xi32>
      %parallel_loop3A_195 = arith.addi %mul3A_5, %parallel_loop3A_194 : vector<16xi32>
      %parallel_loop3A_196 = tpu.vector_load_idx %arg4[%parallel_loop3A_195] : memref<8192xi32, #tpu.memory_space<vmem>>[vector<16xi32>], vector<16xi32>,
      %parallel_loop3A_197 = arith.constant 10 : i32
      %parallel_loop3A_198 = vector.broadcast %parallel_loop3A_197 : i32 to vector<16xi32>
      %parallel_loop3A_199 = arith.shrsi %parallel_loop3A_196, %parallel_loop3A_198 : vector<16xi32>
      %parallel_loop3A_200 = arith.constant 65535 : i32
      %parallel_loop3A_201 = vector.broadcast %parallel_loop3A_200 : i32 to vector<16xi32>
      %parallel_loop3A_202 = arith.muli %parallel_loop3A_199, %parallel_loop3A_201 : vector<16xi32>
      %parallel_loop3A_203 = vector.broadcast %parallel_loop3A_163 : i32 to vector<16xi32>
      %parallel_loop3A_204 = arith.addi %parallel_loop3A_203, %parallel_loop3A_202 : vector<16xi32>
      %parallel_loop3A_205 = arith.constant 1023 : i32
      %parallel_loop3A_206 = vector.broadcast %parallel_loop3A_205 : i32 to vector<16xi32>
      %parallel_loop3A_207 = arith.andi %parallel_loop3A_196, %parallel_loop3A_206 : vector<16xi32>
      %parallel_loop3A_208 = arith.addi %mul3A_8, %parallel_loop3A_207 : vector<16xi32>
      tpu.vector_store_idx %arg6[%parallel_loop3A_208], %parallel_loop3A_204 {add = true} : memref<16384xi32, #tpu.memory_space<vmem>>[vector<16xi32>], vector<16xi32>,
    } {sc.loop_unroll_factor = 8 : i64, sc.parallel_access}
    %mul3A_164 = arith.constant 1024 : i32
    %mul3A_165 = arith.muli %add3A_146, %mul3A_164 : i32
    %dma_start3A_166 = tpu.memref_slice %arg3[%mul3A_165] : memref<4194304xi32, #tpu.memory_space<hbm>> -> memref<16384xi32, #tpu.memory_space<hbm>>
    %dma_start3A_167 = tpu.memref_slice %arg3[%mul3A_165] : memref<4194304xi32, #tpu.memory_space<hbm>> -> memref<16384xi32, #tpu.memory_space<hbm>>
    tpu.enqueue_dma source(%arg6 : memref<16384xi32, #tpu.memory_space<vmem>>) target(%dma_start3A_167 : memref<16384xi32, #tpu.memory_space<hbm>>) target_semaphore(%arg10 : memref<!tpu.dma_semaphore, #tpu.memory_space<semaphore_mem>>)
    %add3A_168 = arith.constant 112 : i32
    %add3A_169 = arith.addi %mul3A_2, %add3A_168 : i32
    %dma_wait3A_170 = tpu.memref_slice %arg2[%mul3A_150] : memref<2097152xi32, #tpu.memory_space<hbm>> -> memref<8192xi32, #tpu.memory_space<hbm>>
    %dma_wait3A_171 = tpu.memref_slice %arg2[%mul3A_150] : memref<2097152xi32, #tpu.memory_space<hbm>> -> memref<8192xi32, #tpu.memory_space<hbm>>
    tpu.wait_dma2 semaphore(%arg9 : memref<!tpu.dma_semaphore, #tpu.memory_space<semaphore_mem>>) src(%dma_wait3A_171 : memref<8192xi32, #tpu.memory_space<hbm>>) dst(%arg5 : memref<8192xi32, #tpu.memory_space<vmem>>)
    %dma_wait3A_172 = tpu.memref_slice %arg3[%mul3A_142] : memref<4194304xi32, #tpu.memory_space<hbm>> -> memref<16384xi32, #tpu.memory_space<hbm>>
    %dma_wait3A_173 = tpu.memref_slice %arg3[%mul3A_142] : memref<4194304xi32, #tpu.memory_space<hbm>> -> memref<16384xi32, #tpu.memory_space<hbm>>
    tpu.wait_dma2 semaphore(%arg11 : memref<!tpu.dma_semaphore, #tpu.memory_space<semaphore_mem>>) src(%arg7 : memref<16384xi32, #tpu.memory_space<vmem>>) dst(%dma_wait3A_173 : memref<16384xi32, #tpu.memory_space<hbm>>)
    %parallel_loop3A_174 = arith.constant 0 : i32
    %parallel_loop3A_175 = arith.constant 16384 : i32
    %parallel_loop3A_176 = arith.constant 16 : i32
    scf.for %parallel_loop3A_189 = %parallel_loop3A_174 to %parallel_loop3A_175 step %parallel_loop3A_176  : i32 {
      %parallel_loop3A_190 = arith.index_cast %parallel_loop3A_189 : i32 to index
      %parallel_loop3A_191 = tpu.vector_load %arg7[%parallel_loop3A_190] {strides = array<i32>} : memref<16384xi32, #tpu.memory_space<vmem>>, vector<16xi32>,
      tpu.vector_store %arg7[%parallel_loop3A_190], %broadcast_in_dim3A_9 {strides = array<i32>} : memref<16384xi32, #tpu.memory_space<vmem>>, vector<16xi32>,
    } {sc.loop_unroll_factor = 8 : i64, sc.parallel_access}
    %parallel_loop3A_177 = arith.constant 0 : i32
    %parallel_loop3A_178 = arith.constant 512 : i32
    %parallel_loop3A_179 = arith.constant 1 : i32
    %parallel_loop3A_180 = arith.constant 1 : i32
    scf.for %parallel_loop3A_189 = %parallel_loop3A_177 to %parallel_loop3A_178 step %parallel_loop3A_179  : i32 {
      %parallel_loop3A_190 = vector.broadcast %parallel_loop3A_189 : i32 to vector<16xi32>
      %parallel_loop3A_191 = arith.addi %parallel_loop3A_190, %iota3A : vector<16xi32>
      %parallel_loop3A_192 = arith.constant 511 : i32
      %parallel_loop3A_193 = vector.broadcast %parallel_loop3A_192 : i32 to vector<16xi32>
      %parallel_loop3A_194 = arith.andi %parallel_loop3A_191, %parallel_loop3A_193 : vector<16xi32>
      %parallel_loop3A_195 = arith.addi %mul3A_5, %parallel_loop3A_194 : vector<16xi32>
      %parallel_loop3A_196 = tpu.vector_load_idx %arg5[%parallel_loop3A_195] : memref<8192xi32, #tpu.memory_space<vmem>>[vector<16xi32>], vector<16xi32>,
      %parallel_loop3A_197 = arith.constant 10 : i32
      %parallel_loop3A_198 = vector.broadcast %parallel_loop3A_197 : i32 to vector<16xi32>
      %parallel_loop3A_199 = arith.shrsi %parallel_loop3A_196, %parallel_loop3A_198 : vector<16xi32>
      %parallel_loop3A_200 = arith.constant 65535 : i32
      %parallel_loop3A_201 = vector.broadcast %parallel_loop3A_200 : i32 to vector<16xi32>
      %parallel_loop3A_202 = arith.muli %parallel_loop3A_199, %parallel_loop3A_201 : vector<16xi32>
      %parallel_loop3A_203 = vector.broadcast %parallel_loop3A_180 : i32 to vector<16xi32>
      %parallel_loop3A_204 = arith.addi %parallel_loop3A_203, %parallel_loop3A_202 : vector<16xi32>
      %parallel_loop3A_205 = arith.constant 1023 : i32
      %parallel_loop3A_206 = vector.broadcast %parallel_loop3A_205 : i32 to vector<16xi32>
      %parallel_loop3A_207 = arith.andi %parallel_loop3A_196, %parallel_loop3A_206 : vector<16xi32>
      %parallel_loop3A_208 = arith.addi %mul3A_8, %parallel_loop3A_207 : vector<16xi32>
      tpu.vector_store_idx %arg7[%parallel_loop3A_208], %parallel_loop3A_204 {add = true} : memref<16384xi32, #tpu.memory_space<vmem>>[vector<16xi32>], vector<16xi32>,
    } {sc.loop_unroll_factor = 8 : i64, sc.parallel_access}
    %mul3A_181 = arith.constant 1024 : i32
    %mul3A_182 = arith.muli %add3A_169, %mul3A_181 : i32
    %dma_start3A_183 = tpu.memref_slice %arg3[%mul3A_182] : memref<4194304xi32, #tpu.memory_space<hbm>> -> memref<16384xi32, #tpu.memory_space<hbm>>
    %dma_start3A_184 = tpu.memref_slice %arg3[%mul3A_182] : memref<4194304xi32, #tpu.memory_space<hbm>> -> memref<16384xi32, #tpu.memory_space<hbm>>
    tpu.enqueue_dma source(%arg7 : memref<16384xi32, #tpu.memory_space<vmem>>) target(%dma_start3A_184 : memref<16384xi32, #tpu.memory_space<hbm>>) target_semaphore(%arg11 : memref<!tpu.dma_semaphore, #tpu.memory_space<semaphore_mem>>)
    %dma_wait3A_185 = tpu.memref_slice %arg3[%mul3A_165] : memref<4194304xi32, #tpu.memory_space<hbm>> -> memref<16384xi32, #tpu.memory_space<hbm>>
    %dma_wait3A_186 = tpu.memref_slice %arg3[%mul3A_165] : memref<4194304xi32, #tpu.memory_space<hbm>> -> memref<16384xi32, #tpu.memory_space<hbm>>
    tpu.wait_dma2 semaphore(%arg10 : memref<!tpu.dma_semaphore, #tpu.memory_space<semaphore_mem>>) src(%arg6 : memref<16384xi32, #tpu.memory_space<vmem>>) dst(%dma_wait3A_186 : memref<16384xi32, #tpu.memory_space<hbm>>)
    %dma_wait3A_187 = tpu.memref_slice %arg3[%mul3A_182] : memref<4194304xi32, #tpu.memory_space<hbm>> -> memref<16384xi32, #tpu.memory_space<hbm>>
    %dma_wait3A_188 = tpu.memref_slice %arg3[%mul3A_182] : memref<4194304xi32, #tpu.memory_space<hbm>> -> memref<16384xi32, #tpu.memory_space<hbm>>
    tpu.wait_dma2 semaphore(%arg11 : memref<!tpu.dma_semaphore, #tpu.memory_space<semaphore_mem>>) src(%arg7 : memref<16384xi32, #tpu.memory_space<vmem>>) dst(%dma_wait3A_188 : memref<16384xi32, #tpu.memory_space<hbm>>)
    return
  }
}

module attributes {stable_mosaic.version = 14 : i64} {
  func.func @_matmul_body(%arg0: i32, %arg1: memref<512x1024xi32, #tpu.memory_space<vmem>>, %arg2: memref<2048x128xf32, #tpu.memory_space<vmem>>, %arg3: memref<512x128xf32, #tpu.memory_space<vmem>>) attributes {dimension_semantics = [#tpu.dimension_semantics<arbitrary>], iteration_bounds = array<i64: 8>, scalar_prefetch = 0 : i64, scratch_operands = 0 : i64, tpu.core_type = #tpu.core_type<tc>, window_params = [{transform_indices = @transform_0, window_bounds = array<i64: 512, 1024>}, {pipeline_mode = #tpu.pipeline_mode<synchronous>, transform_indices = @transform_1, window_bounds = array<i64: 2048, 128>}, {transform_indices = @transform_2, window_bounds = array<i64: 512, 128>}]} {
    %get3A = arith.constant 0 : index
    %get3A_0 = arith.constant 0 : index
    %get3A_1 = vector.load %arg1[%get3A, %get3A_0] : memref<512x1024xi32, #tpu.memory_space<vmem>>, vector<512x1024xi32>
    %and3A = arith.constant 65535 : i32
    %and3A_2 = vector.broadcast %and3A : i32 to vector<512x1024xi32>
    %and3A_3 = arith.andi %get3A_1, %and3A_2 : vector<512x1024xi32>
    %convert_element_type3A = arith.sitofp %and3A_3 : vector<512x1024xi32> to vector<512x1024xf32>
    %shift_right_logical3A = arith.constant 16 : i32
    %shift_right_logical3A_4 = vector.broadcast %shift_right_logical3A : i32 to vector<512x1024xi32>
    %shift_right_logical3A_5 = arith.shrui %get3A_1, %shift_right_logical3A_4 : vector<512x1024xi32>
    %convert_element_type3A_6 = arith.sitofp %shift_right_logical3A_5 : vector<512x1024xi32> to vector<512x1024xf32>
    %get3A_7 = arith.constant 0 : index
    %get3A_8 = arith.constant 0 : index
    %get3A_9 = vector.load %arg2[%get3A_7, %get3A_8] : memref<2048x128xf32, #tpu.memory_space<vmem>>, vector<1024x128xf32>
    %dot_general3A = arith.constant dense<0.000000e+00> : vector<512x128xf32>
    %dot_general3A_10 = tpu.matmul %convert_element_type3A, %get3A_9, %dot_general3A {dimension_numbers = #tpu.dot_dimension_numbers<[1], [0], [0], [1], [0, 0, 1, 1], [], []>, transpose_lhs_hint = false} : vector<512x1024xf32>, vector<1024x128xf32>, vector<512x128xf32> -> vector<512x128xf32>
    %get3A_11 = arith.constant 1024 : index
    %get3A_12 = arith.constant 0 : index
    %get3A_13 = vector.load %arg2[%get3A_11, %get3A_12] : memref<2048x128xf32, #tpu.memory_space<vmem>>, vector<1024x128xf32>
    %dot_general3A_14 = arith.constant dense<0.000000e+00> : vector<512x128xf32>
    %dot_general3A_15 = tpu.matmul %convert_element_type3A_6, %get3A_13, %dot_general3A_14 {dimension_numbers = #tpu.dot_dimension_numbers<[1], [0], [0], [1], [0, 0, 1, 1], [], []>, transpose_lhs_hint = false} : vector<512x1024xf32>, vector<1024x128xf32>, vector<512x128xf32> -> vector<512x128xf32>
    %add3A = arith.addf %dot_general3A_10, %dot_general3A_15 : vector<512x128xf32>
    %mul3A = arith.constant 0.001953125 : f32
    %mul3A_16 = vector.broadcast %mul3A : f32 to vector<512x128xf32>
    %mul3A_17 = arith.mulf %add3A, %mul3A_16 : vector<512x128xf32>
    %swap3A = arith.constant 0 : index
    %swap3A_18 = arith.constant 0 : index
    %swap3A_19 = vector.load %arg3[%swap3A, %swap3A_18] : memref<512x128xf32, #tpu.memory_space<vmem>>, vector<512x128xf32>
    tpu.vector_store %arg3[%swap3A, %swap3A_18], %mul3A_17 {strides = array<i32>} : memref<512x128xf32, #tpu.memory_space<vmem>>, vector<512x128xf32>,
    return
  }
  func.func @transform_0(%arg0: i32) -> (i32, i32) {
    %c0_i32 = arith.constant 0 : i32
    %c0_i32_0 = arith.constant 0 : i32
    return %arg0, %c0_i32 : i32, i32
  }
  func.func @transform_1(%arg0: i32) -> (i32, i32) {
    %c0_i32 = arith.constant 0 : i32
    %c0_i32_0 = arith.constant 0 : i32
    %c0_i32_1 = arith.constant 0 : i32
    return %c0_i32, %c0_i32_0 : i32, i32
  }
  func.func @transform_2(%arg0: i32) -> (i32, i32) {
    %c0_i32 = arith.constant 0 : i32
    %c0_i32_0 = arith.constant 0 : i32
    return %arg0, %c0_i32 : i32, i32
  }
}

</mosaic_0001>

<sc_bundles>
// kernel: kernel.4.cloned.1.call-start
scs
__scs_entry_jumppad:
0x0: {  	(pc) =	sbr.rel $0x88, $3  }
0x1: {  	(tag) =	ssettag $0x0;
	lr =	simm.s32 $0x1  }
0x2: {  	[smem:$0x3F9F] =	sst lr;
	_ =	strace $0xD0000000  }
0x3: {  	_ = 	snop  }
0x4: {  	_ = 	snop  }
0x5: {  	_ = 	snop  }
0x6: {  	_ = 	snop  }
0x7: {  	_ = 	snop  }
__scs_overlays_trampoline_lowered:
0x8: {  	[smem:$0x3FAE] =	sst s0  }
0x9: {  	[smem:$0x3FAF] =	sst s1  }
0xa: {  	[smem:$0x3FB0] =	sst s2  }
0xb: {  	[smem:$0x3FB1] =	sst s3  }
0xc: {  	[smem:$0x3FB2] =	sst s4  }
0xd: {  	[smem:$0x3FB3] =	sst s5  }
0xe: {  	[smem:$0x3FB4] =	sst s6  }
0xf: {  	[smem:$0x3FB5] =	sst s7  }
0x10: {  	[smem:$0x3FB6] =	sst s8  }
0x11: {  	[smem:$0x3FB7] =	sst s9;
	s0 =	simm.s32 @!p0 $0x0  }
0x12: {  	s1 =	sld [smem:$0x3F9D];
	s0 =	simm.s32 @p0 $0x1  }
0x13: {  	[smem:$0x3FB8] =	sst s0;
	s0 =	simm.s32 @!p1 $0x0  }
0x14: {  	s2 =	sld [smem:$0x3F9C];
	s0 =	simm.s32 @p1 $0x1  }
0x15: {  	[smem:$0x3FB9] =	sst s0;
	s0 =	simm.s32 @!p2 $0x0  }
0x16: {  	s3 =	sld [smem:$0x3FDB];
	s0 =	simm.s32 @p2 $0x1  }
0x17: {  	s4 =	simm.s32 $0x1BF5;
	[smem:$0x3FBB] =	sst s0  }
0x18: {  	s0 =	sld [smem:$0x3F9E];
	_ =	swait.ge [sflag:s4], $0x0  }
0x19: {  	s7 =	sld [smem:$0x3F9F]  }
0x1a: {  	s8 =	sadd.s32 $0xFFFFE003, lr  }
0x1b: {  	s9 =	sadd.s32 $0xFFFFFEF7, lr;
	s5 =	simm.s32 $0xFFFFFFFF;
	p2 =	slt.u32 s8, $0xFFFFF086  }
0x1c: {  	p1 =	slt.u32 s9, $0xF7A;
	s5 =	simm.s32 @!p2 $0x0  }
0x1d: {  	s5 =	simm.s32 @p1 $0x1;
	p0 =	seq.s32 s7, s2  }
0x1e: {  	s7 =	smul.u32 @!p0 $0xF7A, s2;
	p2 =	seq.s32 @!p0 s5, $0x0  }
0x1f: {  	s9 =	smul.u32 $0xF7A, s1;
	s8 =	simm.s32 @!p0 $0x1BF5;
	p2 =	por !p2, p0  }
0x20: {  	[sflag:s8] =	ssyncset.s32 @!p0 $0xFFFFF086;
	s6 =	sadd.s32 @!p0 s3, s7;
	s7 =	simm.s32 @!p0 $0x108  }
0x21: {  	s3 =	sadd.s32 s3, s9;
	s6 =	sadd.s32 @!p0 $0x88, s6;
	s7 =	simm.s32 @p2 $0x1082  }
0x22: {  	[simem:s7], [sflag:s8] =	dma.local @!p0 [hbm:s6], $0xF7A  }
0x23: {  	s9 =	sor.u32 $0xD0000000, s2;
	s6 =	simm.s32 $0x108;
	_ =	swait.ge @!p0 [sflag:s8], $0x0  }
0x24: {  	s3 =	sadd.s32 $0x88, s3;
	s6 =	simm.s32 @!p1 $0x1082;
	[sflag:s4] =	ssyncset.s32 $0xFFFFF086  }
0x25: {  	[simem:s6], [sflag:s4] =	dma.local [hbm:s3], $0xF7A  }
0x26: {  	[smem:$0x3F9F] =	sst s1;
	(tag) =	ssettag s2;
	_ =	strace s9  }
0x27: {  	s1 =	sld [smem:$0x3FAF]  }
0x28: {  	s2 =	sld [smem:$0x3FB0]  }
0x29: {  	s4 =	sld [smem:$0x3FB2]  }
0x2a: {  	p0 =	seq.s32 s5, $0x0;
	s5 =	sld [smem:$0x3FB3]  }
0x2b: {  	s6 =	sld [smem:$0x3FB4]  }
0x2c: {  	s7 =	sld [smem:$0x3FB5]  }
0x2d: {  	s3 =	simm.s32 $0x108;
	s8 =	sld [smem:$0x3FB6]  }
0x2e: {  	s3 =	simm.s32 @!p0 $0x1082;
	s9 =	sld [smem:$0x3FB7]  }
0x2f: {  	lr =	sadd.s32 s0, s3;
	s0 =	sld [smem:$0x3FAE]  }
0x30: {  	s3 =	sld [smem:$0x3FB1]  }
0x31: {  	[smem:$0x3FBA] =	sst s10  }
0x32: {  	s10 =	sld [smem:$0x3FB8];
	_ =	sdelay $0x3  }
0x33: {  	p0 =	seq.s32 s10, $0x1;
	s10 =	sld [smem:$0x3FBA];
	_ =	sdelay $0x3  }
0x34: {  	[smem:$0x3FBA] =	sst s10  }
0x35: {  	s10 =	sld [smem:$0x3FB9];
	_ =	sdelay $0x3  }
0x36: {  	p1 =	seq.s32 s10, $0x1;
	s10 =	sld [smem:$0x3FBA];
	_ =	sdelay $0x3  }
0x37: {  	[smem:$0x3FBA] =	sst s10  }
0x38: {  	s10 =	sld [smem:$0x3FBB]  }
0x39: {  	_ = 	snop;
	(pc) =	sbr.ind lr, $3  }
0x3a: {  	_ = 	snop  }
0x3b: {  	_ = 	snop  }
0x3c: {  	p2 =	seq.s32 s10, $0x1;
	s10 =	sld [smem:$0x3FBA]  }
0x3d: {  	_ =	shalt  }
0x3e: {  	_ =	shalt  }
0x3f: {  	_ =	shalt  }
0x40: {  	_ =	shalt  }
0x41: {  	_ =	shalt  }
0x42: {  	_ =	shalt  }
0x43: {  	_ =	shalt  }
0x44: {  	_ =	shalt  }
0x45: {  	_ =	shalt  }
0x46: {  	_ =	shalt  }
0x47: {  	_ =	shalt  }
0x48: {  	_ =	shalt  }
0x49: {  	_ =	shalt  }
0x4a: {  	_ =	shalt  }
0x4b: {  	_ =	shalt  }
0x4c: {  	_ =	shalt  }
0x4d: {  	_ =	shalt  }
0x4e: {  	_ =	shalt  }
0x4f: {  	_ =	shalt  }
0x50: {  	_ =	shalt  }
0x51: {  	_ =	shalt  }
0x52: {  	_ =	shalt  }
0x53: {  	_ =	shalt  }
0x54: {  	_ =	shalt  }
0x55: {  	_ =	shalt  }
0x56: {  	_ =	shalt  }
0x57: {  	_ =	shalt  }
0x58: {  	_ =	shalt  }
0x59: {  	_ =	shalt  }
0x5a: {  	_ =	shalt  }
0x5b: {  	_ =	shalt  }
0x5c: {  	_ =	shalt  }
0x5d: {  	_ =	shalt  }
0x5e: {  	_ =	shalt  }
0x5f: {  	_ =	shalt  }
0x60: {  	_ =	shalt  }
0x61: {  	_ =	shalt  }
0x62: {  	_ =	shalt  }
0x63: {  	_ =	shalt  }
0x64: {  	_ =	shalt  }
0x65: {  	_ =	shalt  }
0x66: {  	_ =	shalt  }
0x67: {  	_ =	shalt  }
0x68: {  	_ =	shalt  }
0x69: {  	_ =	shalt  }
0x6a: {  	_ =	shalt  }
0x6b: {  	_ =	shalt  }
0x6c: {  	_ =	shalt  }
0x6d: {  	_ =	shalt  }
0x6e: {  	_ =	shalt  }
0x6f: {  	_ =	shalt  }
0x70: {  	_ =	shalt  }
0x71: {  	_ =	shalt  }
0x72: {  	_ =	shalt  }
0x73: {  	_ =	shalt  }
0x74: {  	_ =	shalt  }
0x75: {  	_ =	shalt  }
0x76: {  	_ =	shalt  }
0x77: {  	_ =	shalt  }
0x78: {  	_ =	shalt  }
0x79: {  	_ =	shalt  }
0x7a: {  	_ =	shalt  }
0x7b: {  	_ =	shalt  }
0x7c: {  	_ =	shalt  }
0x7d: {  	_ =	shalt  }
0x7e: {  	_ =	shalt  }
0x7f: {  	_ =	shalt  }
0x80: {  	_ =	shalt  }
0x81: {  	_ =	shalt  }
0x82: {  	_ =	shalt  }
0x83: {  	_ =	shalt  }
0x84: {  	_ =	shalt  }
0x85: {  	_ =	shalt  }
0x86: {  	_ =	shalt  }
0x87: {  	_ =	shalt  }
.Lfunc_end0:
.L_simem_size_0:
called_computation_lowered:
.L_overlay_start_0:
0x88: {  	s2 =	sld [smem:$0x3FD9]  }
0x89: {  	s3 =	sld [smem:$0x3FFE];
	_ =	sdelay $0x1  }
0x8a: {  	s1 =	srdreg.scid  }
0x8b: {  	s0 =	sand.u32 $0x1, s1  }
0x8c: {  	s16 =	sshll.u32 s0, $0xA;
	s2 =	sadd.s32 s3, s2  }
0x8d: {  	s2 =	sadd.s32 s2, s16  }
0x8e: {  	[smem:$0x3FC6] =	sst s2  }
0x8f: {  	_ = 	snop  }
0x90: {  	(tm) =	ssettm $0x1  }
0x91: {  	s17 =	sld [smem:$0x3FFB];
	_ =	sdelay $0x3  }
0x92: {  	_ =	strace s17  }
0x93: {  	s2 =	sld [smem:$0x3FFC];
	_ =	sdelay $0x3  }
0x94: {  	_ =	strace s2  }
0x95: {  	s2 =	sld [smem:$0x3FFD];
	_ =	sdelay $0x3  }
0x96: {  	_ =	strace s2  }
0x97: {  	_ =	strace $0x8FFFFFFF  }
0x98: {  	s18 =	sld [smem:$0x3FDB];
	_ =	sdelay $0x1  }
0x99: {  	s19 =	simm.s32 $_scs_section_size  }
0x9a: {  	s4 =	simm.s32 $_size__tile_overlayer_lowered;
	s5 =	simm.s32 $_tile_overlayer_lowered  }
0x9b: {  	s22 =	simm.s32 $0x1BFF;
	s21 =	sshll.u32 s5, $0x1;
	s2 =	sadd.s32 s19, s18  }
0x9c: {  	s6 =	simm.s32 $0x0;
	s20 =	sshll.u32 s4, $0x1;
	s4 =	sadd.s32 s21, s2  }
0x9d: {  	[timem:s6], [sflag:s22] =	dma.local [hbm:s4], s20  }
0x9e: {  	_ =	swait.ge [sflag:s22], s20  }
0x9f: {  	s3 =	ssub.s32 $0x0, s20;
	[sflag:s22] =	ssyncset.done $0x0  }
0xa0: {  	[sflag:s22] =	ssyncadd.s32 s3;
	_ =	sdelay $0x1  }
0xa1: {  	s23 =	simm.s32 $0x1B8B  }
0xa2: {  	_ =	swait.ge [sflag:s23], $0x1  }
0xa3: {  	[sflag:s23] =	ssyncset.done $0x0  }
0xa4: {  	s25 =	simm.s32 $0x1B8E;
	s24 =	sld [smem:$0x3FFE];
	[sflag:s23] =	ssyncadd.s32 $0xFFFFFFFF  }
0xa5: {  	s26 =	simm.s32 $execute0_lowered;
	[smem:$0x3FD2] =	sst s25  }
0xa6: {  	s4 =	sshll.u32 s26, $0x1;
	_ =	strace $0x80000046;
	[dreg:$0x1] =	wrdreg $0xFFFFFFFF  }
0xa7: {  	s28 =	simm.s32 $_size_execute0_lowered;
	s2 =	sadd.s32 s2, s4;
	[dreg:$0x0] =	wrdreg $0x0  }
0xa8: {  	s4 =	sshll.u32 s28, $0x1;
	[dreg:$0x2] =	wrdreg s2  }
0xa9: {  	[dreg:$0x3] =	wrdreg s4  }
0xaa: {  	[dreg:$0x4] =	wrdreg $0xC0  }
0xab: {  	_ =	task [dreg:s6], $0x5FFFF  }
0xac: {  	[dreg:$0x1] =	wrdreg $0xFFFFFFFF  }
0xad: {  	[dreg:$0x0] =	wrdreg $0x60  }
0xae: {  	[dreg:$0x2] =	wrdreg s24  }
0xaf: {  	[dreg:$0x3] =	wrdreg $0x9  }
0xb0: {  	_ =	task.clear_ibuf [dreg:s6], $0x4FFFF;
	_ =	strace $0x90000046  }
0xb1: {  	s29 =	simm.s32 $0x9;
	_ =	strace $0x80000048  }
0xb2: {  	_ =	swait.ge [sflag:s29], $0x1  }
0xb3: {  	[sflag:s29] =	ssyncadd.s32 $0xFFFFFFFF  }
0xb4: {  	_ =	strace $0x90000048  }
0xb5: {  	_ =	sfence  }
0xb6: {  	s30 =	sld [smem:$0x0];
	_ =	sdelay $0x2  }
0xb7: {  	s31 =	sshll.u32 s1, $0xD;
	s1 =	sshrl.u32 s1, $0x2  }
0xb8: {  	s3 =	sand.u32 $0x4000, s31;
	s1 =	sadd.s32 s1, s30  }
0xb9: {  	s0 =	sor.u32 s3, s0;
	s1 =	sshll.u32 s1, $0x11  }
0xba: {  	s0 =	sor.u32 s1, s0  }
0xbb: {  	s0 =	sadd.s32 $0x8F2B, s0  }
0xbc: {  	[sflag:s0] =	ssyncadd.remote.s32 $0x1  }
0xbd: {  	_ =	sfence.sel $0xFFFF  }
0xbe: {  	[dreg:$0x0] =	wrdreg $0xFFFFFFFF;
	(pc) =	sbr.abs _section_cstart, $3  }
0xbf: {  	[dreg:$0x1] =	wrdreg $0xFFFFFFFF  }
0xc0: {  	_ =	task.clear_ibuf [dreg:s6], $0x2FFFF;
	_ =	strace $0x9FFFFFFF  }
0xc1: {  	(tm) =	ssettm $0x7FFFFFFF  }
tec
execute0_lowered:
.L_overlay_start_1:
0x0: {  	(tag) =	ssettag $0x1  }
0x1: {  	s3 =	rddreg [dreg:$0x0]  }
0x2: {  	s2 =	simm.s32 $0x0;
	s4 =	srdreg.scid;
	s0 =	stileid.u32  }
0x3: {  	s28 =	simm.s32 $0x0;
	[smem:$0x7FF] =	sst s2;
	s16 =	sadd.s32 $0x600, s3  }
0x4: {  	s4 =	sand.u32 $0x1, s4;
	s5 =	sshll.u32 s0, $0x1;
	s18 =	sadd.s32 $0x40600, s3  }
0x5: {  	_ =	strace $0x80000047;
	s21 =	ssub.s32 $0x2, s4;
	s4 =	sor.u32 s4, s5  }
0x6: {  	s22 =	sshrl.u32 s21, $0x1;
	s17 =	sshll.u32 s4, $0x7;
	s6 =	sshll.u32 s4, $0xD  }
0x7: {  	s25 =	sshll.u32 s4, $0xE;
	s19 =	ssub.s32 s21, s22;
	s23 =	sadd.s32 s16, s6  }
0x8: {  	s7 =	sor.u32 $0x10, s17;
	s8 =	sor.u32 $0x20, s17;
	s5 =	sadd.s32 s18, s25  }
0x9: {  	s10 =	sor.u32 $0x30, s17;
	s13 =	sor.u32 $0x40, s17;
	s14 =	sor.u32 $0x50, s17  }
0xa: {  	s20 =	sor.u32 $0x60, s17;
	s17 =	sor.u32 $0x70, s17;
	s25 =	simm.s32 $0x3  }
0xb: {  	[dreg:$0x2] =	wrdreg s23;
	s24 =	sshll.u32 s7, $0x6;
	s26 =	sshll.u32 s8, $0x6  }
0xc: {  	s7 =	sshll.u32 s7, $0x7;
	s9 =	sshll.u32 s10, $0x6;
	s11 =	sshll.u32 s8, $0x7  }
0xd: {  	s29 =	sshll.u32 s13, $0x6;
	s12 =	sshll.u32 s10, $0x7;
	s30 =	sshll.u32 s14, $0x6  }
0xe: {  	s13 =	sshll.u32 s13, $0x7;
	s15 =	sshll.u32 s20, $0x6;
	s21 =	sshll.u32 s14, $0x7  }
0xf: {  	s31 =	sshll.u32 s17, $0x6;
	s20 =	sshll.u32 s20, $0x7;
	s22 =	sshll.u32 s17, $0x7  }
0x10: {  	s19 =	smax.u32 s19, $0x1;
	s23 =	simm.s32 $0x2;
	s4 =	sadd.s32 s16, s24  }
0x11: {  	s6 =	sadd.s32 s16, s26;
	s7 =	sadd.s32 s18, s7;
	s8 =	sadd.s32 s16, s9  }
0x12: {  	s9 =	sadd.s32 s18, s11;
	s10 =	sadd.s32 s16, s29;
	s11 =	sadd.s32 s18, s12  }
0x13: {  	s12 =	sadd.s32 s16, s30;
	s13 =	sadd.s32 s18, s13;
	s14 =	sadd.s32 s16, s15  }
0x14: {  	s15 =	sadd.s32 s18, s21;
	s16 =	sadd.s32 s16, s31;
	s17 =	sadd.s32 s18, s20  }
0x15: {  	v0 =	vlaneseq.u32;
	s18 =	sadd.s32 s18, s22;
	s20 =	simm.s32 $0x2000;
	s21 =	simm.s32 $0x1  }
0x16: {  	v1 =	vimm.s32 $0x0;
	v2 =	vmul.u32 $0x200, v0;
	v3 =	vmul.u32 $0x400, v0;
	s22 =	simm.s32 $0x4000;
	s24 =	simm.s32 $0x8000;
	s26 =	simm.s32 $0x4  }
.LBB2_1:
0x17: {  	s0 =	rddreg [dreg:$0x2]  }
0x18: {  	[tilespmem:s2], [sflag:$0x1] =	stream.linear.gather [hbm4b:s0+s2], $0x2000, $0x38;
	[tilespmem:$0xC000] =	vst v63  }
0x19: {  	_ = 	snop  }
0x1a: {  	[tilespmem:s20], [sflag:$0x2] =	stream.linear.gather [hbm4b:s4+s2], $0x2000, $0x38;
	[tilespmem:$0xC000] =	vst v63  }
0x1b: {  	_ =	swait.ge [sflag:s21], $0x2000  }
0x1c: {  	[sflag:s21] =	ssyncset.done $0x0  }
0x1d: {  	s29 =	simm.s32 $0x4040;
	[sflag:s21] =	ssyncadd.s32 $0xFFFFE000  }
0x1e: {  	[tilespmem:s29+$0xFFFFFFC0] =	vst v1  }
0x1f: {  	[tilespmem:s29+$0x30] =	vst v1  }
0x20: {  	[tilespmem:s29+$0x20] =	vst v1  }
0x21: {  	[tilespmem:s29+$0x10] =	vst v1  }
0x22: {  	[tilespmem:s29+$0x0] =	vst v1  }
0x23: {  	[tilespmem:s29+$0xFFFFFFF0] =	vst v1  }
0x24: {  	s30 =	simm.s32 $0x0;
	[tilespmem:s29+$0xFFFFFFE0] =	vst v1  }
.LBB2_2:
0x25: {  	s30 =	sadd.s32 $0x80, s30;
	[tilespmem:s29+$0xFFFFFFD0] =	vst v1;
	s29 =	sadd.s32 $0x80, s29  }
0x26: {  	[tilespmem:s29+$0xFFFFFFC0] =	vst v1;
	p0 =	slt.u32 s30, $0x3F80  }
0x27: {  	[tilespmem:s29+$0x30] =	vst v1  }
.Ltmp0:
0x28: {  	[tilespmem:s29+$0x20] =	vst v1;
	(pc) =	sbr.rel @p0 .LBB2_2-.Ltmp0, $4  }
0x29: {  	[tilespmem:s29+$0x10] =	vst v1  }
0x2a: {  	[tilespmem:s29+$0x0] =	vst v1  }
0x2b: {  	[tilespmem:s29+$0xFFFFFFF0] =	vst v1  }
0x2c: {  	[tilespmem:s29+$0xFFFFFFE0] =	vst v1  }
0x2d: {  	s30 =	simm.s32 $0x0  }
0x2e: {  	s31 =	simm.s32 $0x7;
	v4 =	vadd.s32 s30, v0  }
0x2f: {  	s0 =	simm.s32 $0x4;
	v5 =	vadd.s32 s31, v0;
	v4 =	vand.u32 $0x1FF, v4  }
0x30: {  	v6 =	vadd.s32 s0, v0;
	v5 =	vand.u32 $0x1FF, v5;
	v4 =	vor.u32 v2, v4  }
0x31: {  	s1 =	simm.s32 $0x5;
	v6 =	vand.u32 $0x1FF, v6;
	v5 =	vor.u32 v2, v5  }
0x32: {  	v7 =	vadd.s32 s1, v0;
	v6 =	vor.u32 v2, v6  }
0x33: {  	v7 =	vand.u32 $0x1FF, v7  }
0x34: {  	[tilespmem:s29+$0xFFFFFFD0] =	vst v1;
	v7 =	vor.u32 v2, v7  }
0x35: {  	s29 =	simm.s32 $0x3;
	v4 =	vld.idx.msk [tilespmem:v4+s2+$0x0], $0xffff  }
0x36: {  	s3 =	simm.s32 $0x6;
	v8 =	vadd.s32 s29, v0;
	s29 =	simm.s32 $0x1;
	v15 =	vld.idx.msk [tilespmem:v5+s2+$0x0], $0xffff  }
0x37: {  	s31 =	simm.s32 $0x2;
	v8 =	vand.u32 $0x1FF, v8;
	v9 =	vadd.s32 s29, v0;
	v5 =	vadd.s32 s3, v0;
	v10 =	vld.idx.msk [tilespmem:v6+s2+$0x0], $0xffff  }
0x38: {  	v8 =	vor.u32 v2, v8;
	v6 =	vadd.s32 s31, v0;
	v5 =	vand.u32 $0x1FF, v5  }
0x39: {  	v6 =	vand.u32 $0x1FF, v6;
	v11 =	vor.u32 v2, v5;
	v5 =	vand.u32 $0x1FF, v9;
	v9 =	vld.idx.msk [tilespmem:v7+s2+$0x0], $0xffff  }
0x3a: {  	v6 =	vor.u32 v2, v6;
	v13 =	vor.u32 v2, v5  }
0x3b: {  	v5 =	vshra.s32 v4, $0xA;
	v4 =	vand.u32 $0x3FF, v4;
	v12 =	vshra.s32 v15, $0xA  }
0x3c: {  	v14 =	vshra.s32 v10, $0xA;
	v15 =	vand.u32 $0x3FF, v15;
	v7 =	vmul.u32 $0xFFFF, v5  }
0x3d: {  	v5 =	vor.u32 v3, v4;
	v12 =	vmul.u32 $0xFFFF, v12;
	v4 =	vld.idx.msk [tilespmem:v8+s2+$0x0], $0xffff;
	v8 =	vand.u32 $0x3FF, v10  }
0x3e: {  	v10 =	vld.idx.msk [tilespmem:v11+s2+$0x0], $0xffff;
	v11 =	vshra.s32 v9, $0xA;
	v16 =	vand.u32 $0x3FF, v9;
	v7 =	vadd.s32 $0x1, v7  }
0x3f: {  	s29 =	simm.s32 $0x8;
	v12 =	vadd.s32 $0x1, v12;
	v9 =	vld.idx.msk [tilespmem:v13+s2+$0x0], $0xffff;
	v13 =	vmul.u32 $0xFFFF, v11;
	v11 =	vor.u32 v3, v16  }
.LBB2_4:
0x40: {  	s30 =	sadd.s32 $0x1, s29  }
0x41: {  	s31 =	sadd.s32 $0x2, s29;
	s0 =	sadd.s32 $0x3, s29;
	v14 =	vmul.u32 $0xFFFF, v14;
	v15 =	vor.u32 v3, v15;
	s1 =	smov.u32 s29  }
0x42: {  	s3 =	sadd.s32 $0x6, s29;
	v18 =	vand.u32 $0x3FF, v4;
	v16 =	vadd.s32 s30, v0;
	v17 =	vadd.s32 s31, v0;
	s30 =	sadd.s32 $0x4, s29;
	s31 =	sadd.s32 $0x5, s29  }
0x43: {  	p0 =	slt.u32 s29, $0x1F8;
	s29 =	sadd.s32 $0x8, s29;
	v21 =	vand.u32 $0x3FF, v10;
	v19 =	vadd.s32 s30, v0;
	v20 =	vadd.s32 s31, v0;
	s30 =	sadd.s32 $0x7, s1  }
0x44: {  	v22 =	vadd.s32 s1, v0;
	v21 =	vor.u32 v3, v21;
	v23 =	vadd.s32 s30, v0  }
0x45: {  	v18 =	vor.u32 v3, v18;
	v22 =	vand.u32 $0x1FF, v22;
	v20 =	vand.u32 $0x1FF, v20  }
0x46: {  	v22 =	vor.u32 v2, v22;
	v23 =	vand.u32 $0x1FF, v23;
	v24 =	vand.u32 $0x3FF, v9;
	[tilespmem:v15+s22+$0x0] =	vst.idx.add.s32.msk $0xffff, v12  }
0x47: {  	v13 =	vadd.s32 $0x1, v13;
	v12 =	vor.u32 v2, v20;
	v15 =	vor.u32 v2, v23  }
0x48: {  	v19 =	vand.u32 $0x1FF, v19;
	v20 =	vadd.s32 s3, v0;
	v23 =	vld.idx.msk [tilespmem:v6+s2+$0x0], $0xffff;
	v6 =	vshra.s32 v10, $0xA  }
0x49: {  	v10 =	vor.u32 v2, v19;
	v19 =	vand.u32 $0x1FF, v20;
	[tilespmem:v11+s22+$0x0] =	vst.idx.add.s32.msk $0xffff, v13;
	v11 =	vmul.u32 $0xFFFF, v6  }
0x4a: {  	v6 =	vand.u32 $0x1FF, v17;
	v13 =	vor.u32 v2, v19;
	[tilespmem:v5+s22+$0x0] =	vst.idx.add.s32.msk $0xffff, v7;
	v5 =	vor.u32 v3, v8  }
0x4b: {  	v17 =	vor.u32 v3, v24;
	v8 =	vand.u32 $0x1FF, v16;
	v16 =	vadd.s32 s0, v0;
	v7 =	vld.idx.msk [tilespmem:v22+s2+$0x0], $0xffff  }
0x4c: {  	v9 =	vshra.s32 v9, $0xA;
	v19 =	vor.u32 v2, v8;
	v8 =	vand.u32 $0x1FF, v16;
	v15 =	vld.idx.msk [tilespmem:v15+s2+$0x0], $0xffff  }
0x4d: {  	v9 =	vmul.u32 $0xFFFF, v9;
	v6 =	vor.u32 v2, v6;
	v8 =	vor.u32 v2, v8;
	v12 =	vld.idx.msk [tilespmem:v12+s2+$0x0], $0xffff  }
0x4e: {  	v11 =	vadd.s32 $0x1, v11;
	v20 =	vand.u32 $0x3FF, v23;
	v16 =	vld.idx.msk [tilespmem:v10+s2+$0x0], $0xffff;
	v10 =	vshra.s32 v23, $0xA  }
0x4f: {  	v9 =	vadd.s32 $0x1, v9;
	v20 =	vor.u32 v3, v20;
	v22 =	vmul.u32 $0xFFFF, v10;
	[tilespmem:v21+s22+$0x0] =	vst.idx.add.s32.msk $0xffff, v11  }
0x50: {  	v4 =	vshra.s32 v4, $0xA;
	[tilespmem:v17+s22+$0x0] =	vst.idx.add.s32.msk $0xffff, v9;
	v9 =	vadd.s32 $0x1, v14  }
0x51: {  	v11 =	vmul.u32 $0xFFFF, v4;
	v10 =	vshra.s32 v7, $0xA;
	v7 =	vand.u32 $0x3FF, v7;
	[tilespmem:v5+s22+$0x0] =	vst.idx.add.s32.msk $0xffff, v9  }
.Ltmp1:
0x52: {  	v9 =	vmul.u32 $0xFFFF, v10;
	v5 =	vor.u32 v3, v7;
	v7 =	vshra.s32 v15, $0xA;
	v4 =	vld.idx.msk [tilespmem:v8+s2+$0x0], $0xffff;
	(pc) =	sbr.rel @p0 .LBB2_4-.Ltmp1, $4  }
0x53: {  	v17 =	vadd.s32 $0x1, v22;
	v11 =	vadd.s32 $0x1, v11;
	v10 =	vld.idx.msk [tilespmem:v13+s2+$0x0], $0xffff;
	v13 =	vmul.u32 $0xFFFF, v7  }
0x54: {  	v7 =	vadd.s32 $0x1, v9;
	v14 =	vshra.s32 v16, $0xA;
	v8 =	vand.u32 $0x3FF, v16;
	[tilespmem:v18+s22+$0x0] =	vst.idx.add.s32.msk $0xffff, v11  }
0x55: {  	v16 =	vand.u32 $0x3FF, v12;
	v11 =	vshra.s32 v12, $0xA;
	v12 =	vadd.s32 $0x1, v13;
	[tilespmem:v20+s22+$0x0] =	vst.idx.add.s32.msk $0xffff, v17  }
0x56: {  	v15 =	vand.u32 $0x3FF, v15;
	v13 =	vmul.u32 $0xFFFF, v11;
	v11 =	vor.u32 v3, v16;
	v9 =	vld.idx.msk [tilespmem:v19+s2+$0x0], $0xffff  }
0x57: {  	_ =	sdelay $0x3  }
0x58: {  	v6 =	vld.idx.msk [tilespmem:v6+s2+$0x0], $0xffff  }
0x59: {  	v15 =	vor.u32 v3, v15;
	v14 =	vmul.u32 $0xFFFF, v14;
	v17 =	vand.u32 $0x3FF, v4  }
0x5a: {  	v8 =	vor.u32 v3, v8;
	v4 =	vshra.s32 v4, $0xA;
	v16 =	vand.u32 $0x3FF, v10  }
0x5b: {  	v13 =	vadd.s32 $0x1, v13;
	v58 =	vshra.s32 v10, $0xA;
	v16 =	vor.u32 v3, v16  }
0x5c: {  	[tilespmem:v5+s22+$0x0] =	vst.idx.add.s32.msk $0xffff, v7;
	v60 =	vor.u32 v3, v17;
	v4 =	vmul.u32 $0xFFFF, v4;
	v18 =	vand.u32 $0x3FF, v9  }
0x5d: {  	v10 =	vmul.u32 $0xFFFF, v58;
	[tilespmem:v11+s22+$0x0] =	vst.idx.add.s32.msk $0xffff, v13;
	v18 =	vor.u32 v3, v18;
	v61 =	vand.u32 $0x3FF, v6  }
0x5e: {  	v63 =	vadd.s32 $0x1, v14;
	v59 =	vshra.s32 v9, $0xA;
	[tilespmem:v15+s22+$0x0] =	vst.idx.add.s32.msk $0xffff, v12;
	v62 =	vor.u32 v3, v61  }
0x5f: {  	v5 =	vadd.s32 $0x1, v10;
	v9 =	vmul.u32 $0xFFFF, v59;
	v6 =	vshra.s32 v6, $0xA;
	[tilespmem:v8+s22+$0x0] =	vst.idx.add.s32.msk $0xffff, v63  }
0x60: {  	v4 =	vadd.s32 $0x1, v4;
	[tilespmem:v16+s22+$0x0] =	vst.idx.add.s32.msk $0xffff, v5;
	v5 =	vmul.u32 $0xFFFF, v6  }
0x61: {  	[tilespmem:v60+s22+$0x0] =	vst.idx.add.s32.msk $0xffff, v4;
	v9 =	vadd.s32 $0x1, v9  }
0x62: {  	v5 =	vadd.s32 $0x1, v5;
	[tilespmem:v18+s22+$0x0] =	vst.idx.add.s32.msk $0xffff, v9  }
0x63: {  	[tilespmem:v62+s22+$0x0] =	vst.idx.add.s32.msk $0xffff, v5  }
0x64: {  	[hbm4b:s5+s2] =	stream.linear.scatter [tilespmem:s22], [sflag:$0x3], $0x4000, $0x38;
	[tilespmem:$0xC000] =	vst v63  }
0x65: {  	_ = 	snop  }
0x66: {  	[tilespmem:s2], [sflag:$0x1] =	stream.linear.gather [hbm4b:s6+s2], $0x2000, $0x38;
	[tilespmem:$0xC000] =	vst v63  }
0x67: {  	_ =	swait.ge [sflag:s23], $0x2000  }
0x68: {  	[sflag:s23] =	ssyncset.done $0x0  }
0x69: {  	s29 =	simm.s32 $0x8040;
	[sflag:s23] =	ssyncadd.s32 $0xFFFFE000  }
0x6a: {  	[tilespmem:s29+$0xFFFFFFC0] =	vst v1  }
0x6b: {  	[tilespmem:s29+$0x30] =	vst v1  }
0x6c: {  	[tilespmem:s29+$0x20] =	vst v1  }
0x6d: {  	[tilespmem:s29+$0x10] =	vst v1  }
0x6e: {  	[tilespmem:s29+$0x0] =	vst v1  }
0x6f: {  	[tilespmem:s29+$0xFFFFFFF0] =	vst v1  }
0x70: {  	s30 =	simm.s32 $0x0;
	[tilespmem:s29+$0xFFFFFFE0] =	vst v1  }
.LBB2_6:
0x71: {  	s30 =	sadd.s32 $0x80, s30;
	[tilespmem:s29+$0xFFFFFFD0] =	vst v1;
	s29 =	sadd.s32 $0x80, s29  }
0x72: {  	[tilespmem:s29+$0xFFFFFFC0] =	vst v1;
	p0 =	slt.u32 s30, $0x3F80  }
0x73: {  	[tilespmem:s29+$0x30] =	vst v1  }
.Ltmp2:
0x74: {  	[tilespmem:s29+$0x20] =	vst v1;
	(pc) =	sbr.rel @p0 .LBB2_6-.Ltmp2, $4  }
0x75: {  	[tilespmem:s29+$0x10] =	vst v1  }
0x76: {  	[tilespmem:s29+$0x0] =	vst v1  }
0x77: {  	[tilespmem:s29+$0xFFFFFFF0] =	vst v1  }
0x78: {  	[tilespmem:s29+$0xFFFFFFE0] =	vst v1  }
0x79: {  	s0 =	simm.s32 $0x0  }
0x7a: {  	s1 =	simm.s32 $0x7;
	v4 =	vadd.s32 s0, v0  }
0x7b: {  	s30 =	simm.s32 $0x4;
	v5 =	vadd.s32 s1, v0;
	v4 =	vand.u32 $0x1FF, v4  }
0x7c: {  	v6 =	vadd.s32 s30, v0;
	v5 =	vand.u32 $0x1FF, v5;
	v4 =	vor.u32 v2, v4  }
0x7d: {  	s31 =	simm.s32 $0x5;
	v6 =	vand.u32 $0x1FF, v6;
	v5 =	vor.u32 v2, v5  }
0x7e: {  	v7 =	vadd.s32 s31, v0;
	v6 =	vor.u32 v2, v6  }
0x7f: {  	v7 =	vand.u32 $0x1FF, v7  }
0x80: {  	[tilespmem:s29+$0xFFFFFFD0] =	vst v1;
	v7 =	vor.u32 v2, v7  }
0x81: {  	s1 =	simm.s32 $0x3;
	v4 =	vld.idx.msk [tilespmem:v4+s20+$0x0], $0xffff  }
0x82: {  	s3 =	simm.s32 $0x6;
	s30 =	simm.s32 $0x1;
	v8 =	vadd.s32 s1, v0;
	v15 =	vld.idx.msk [tilespmem:v5+s20+$0x0], $0xffff  }
0x83: {  	s31 =	simm.s32 $0x2;
	v9 =	vadd.s32 s30, v0;
	v8 =	vand.u32 $0x1FF, v8;
	v5 =	vadd.s32 s3, v0;
	v10 =	vld.idx.msk [tilespmem:v6+s20+$0x0], $0xffff  }
0x84: {  	v8 =	vor.u32 v2, v8;
	v6 =	vadd.s32 s31, v0;
	v5 =	vand.u32 $0x1FF, v5  }
0x85: {  	v6 =	vand.u32 $0x1FF, v6;
	v11 =	vor.u32 v2, v5;
	v5 =	vand.u32 $0x1FF, v9;
	v9 =	vld.idx.msk [tilespmem:v7+s20+$0x0], $0xffff  }
0x86: {  	v6 =	vor.u32 v2, v6;
	v13 =	vor.u32 v2, v5  }
0x87: {  	v5 =	vshra.s32 v4, $0xA;
	v4 =	vand.u32 $0x3FF, v4;
	v12 =	vshra.s32 v15, $0xA  }
0x88: {  	v14 =	vshra.s32 v10, $0xA;
	v15 =	vand.u32 $0x3FF, v15;
	v7 =	vmul.u32 $0xFFFF, v5  }
0x89: {  	v5 =	vor.u32 v3, v4;
	v12 =	vmul.u32 $0xFFFF, v12;
	v4 =	vld.idx.msk [tilespmem:v8+s20+$0x0], $0xffff;
	v8 =	vand.u32 $0x3FF, v10  }
0x8a: {  	v10 =	vld.idx.msk [tilespmem:v11+s20+$0x0], $0xffff;
	v11 =	vshra.s32 v9, $0xA;
	v16 =	vand.u32 $0x3FF, v9;
	v7 =	vadd.s32 $0x1, v7  }
0x8b: {  	s29 =	simm.s32 $0x8;
	v12 =	vadd.s32 $0x1, v12;
	v9 =	vld.idx.msk [tilespmem:v13+s20+$0x0], $0xffff;
	v13 =	vmul.u32 $0xFFFF, v11;
	v11 =	vor.u32 v3, v16  }
.LBB2_8:
0x8c: {  	s0 =	sadd.s32 $0x1, s29  }
0x8d: {  	s1 =	sadd.s32 $0x2, s29;
	s3 =	sadd.s32 $0x3, s29;
	v14 =	vmul.u32 $0xFFFF, v14;
	v15 =	vor.u32 v3, v15;
	s30 =	smov.u32 s29  }
0x8e: {  	s31 =	sadd.s32 $0x6, s29;
	v18 =	vand.u32 $0x3FF, v4;
	v16 =	vadd.s32 s0, v0;
	v17 =	vadd.s32 s1, v0;
	s0 =	sadd.s32 $0x4, s29;
	s1 =	sadd.s32 $0x5, s29  }
0x8f: {  	p0 =	slt.u32 s29, $0x1F8;
	s29 =	sadd.s32 $0x8, s29;
	v21 =	vand.u32 $0x3FF, v10;
	v19 =	vadd.s32 s0, v0;
	v20 =	vadd.s32 s1, v0;
	s0 =	sadd.s32 $0x7, s30  }
0x90: {  	v22 =	vadd.s32 s30, v0;
	v21 =	vor.u32 v3, v21;
	v23 =	vadd.s32 s0, v0  }
0x91: {  	v18 =	vor.u32 v3, v18;
	v22 =	vand.u32 $0x1FF, v22;
	v20 =	vand.u32 $0x1FF, v20  }
0x92: {  	v22 =	vor.u32 v2, v22;
	v23 =	vand.u32 $0x1FF, v23;
	v24 =	vand.u32 $0x3FF, v9;
	[tilespmem:v15+s24+$0x0] =	vst.idx.add.s32.msk $0xffff, v12  }
0x93: {  	v13 =	vadd.s32 $0x1, v13;
	v12 =	vor.u32 v2, v20;
	v15 =	vor.u32 v2, v23  }
0x94: {  	v19 =	vand.u32 $0x1FF, v19;
	v20 =	vadd.s32 s31, v0;
	v23 =	vld.idx.msk [tilespmem:v6+s20+$0x0], $0xffff;
	v6 =	vshra.s32 v10, $0xA  }
0x95: {  	v10 =	vor.u32 v2, v19;
	v19 =	vand.u32 $0x1FF, v20;
	[tilespmem:v11+s24+$0x0] =	vst.idx.add.s32.msk $0xffff, v13;
	v11 =	vmul.u32 $0xFFFF, v6  }
0x96: {  	v6 =	vand.u32 $0x1FF, v17;
	v13 =	vor.u32 v2, v19;
	[tilespmem:v5+s24+$0x0] =	vst.idx.add.s32.msk $0xffff, v7;
	v5 =	vor.u32 v3, v8  }
0x97: {  	v17 =	vor.u32 v3, v24;
	v8 =	vand.u32 $0x1FF, v16;
	v16 =	vadd.s32 s3, v0;
	v7 =	vld.idx.msk [tilespmem:v22+s20+$0x0], $0xffff  }
0x98: {  	v9 =	vshra.s32 v9, $0xA;
	v19 =	vor.u32 v2, v8;
	v8 =	vand.u32 $0x1FF, v16;
	v15 =	vld.idx.msk [tilespmem:v15+s20+$0x0], $0xffff  }
0x99: {  	v9 =	vmul.u32 $0xFFFF, v9;
	v6 =	vor.u32 v2, v6;
	v8 =	vor.u32 v2, v8;
	v12 =	vld.idx.msk [tilespmem:v12+s20+$0x0], $0xffff  }
0x9a: {  	v11 =	vadd.s32 $0x1, v11;
	v20 =	vand.u32 $0x3FF, v23;
	v16 =	vld.idx.msk [tilespmem:v10+s20+$0x0], $0xffff;
	v10 =	vshra.s32 v23, $0xA  }
0x9b: {  	v9 =	vadd.s32 $0x1, v9;
	v20 =	vor.u32 v3, v20;
	v22 =	vmul.u32 $0xFFFF, v10;
	[tilespmem:v21+s24+$0x0] =	vst.idx.add.s32.msk $0xffff, v11  }
0x9c: {  	v4 =	vshra.s32 v4, $0xA;
	[tilespmem:v17+s24+$0x0] =	vst.idx.add.s32.msk $0xffff, v9;
	v9 =	vadd.s32 $0x1, v14  }
0x9d: {  	v11 =	vmul.u32 $0xFFFF, v4;
	v10 =	vshra.s32 v7, $0xA;
	v7 =	vand.u32 $0x3FF, v7;
	[tilespmem:v5+s24+$0x0] =	vst.idx.add.s32.msk $0xffff, v9  }
.Ltmp3:
0x9e: {  	v9 =	vmul.u32 $0xFFFF, v10;
	v5 =	vor.u32 v3, v7;
	v7 =	vshra.s32 v15, $0xA;
	v4 =	vld.idx.msk [tilespmem:v8+s20+$0x0], $0xffff;
	(pc) =	sbr.rel @p0 .LBB2_8-.Ltmp3, $4  }
0x9f: {  	v17 =	vadd.s32 $0x1, v22;
	v11 =	vadd.s32 $0x1, v11;
	v10 =	vld.idx.msk [tilespmem:v13+s20+$0x0], $0xffff;
	v13 =	vmul.u32 $0xFFFF, v7  }
0xa0: {  	v7 =	vadd.s32 $0x1, v9;
	v14 =	vshra.s32 v16, $0xA;
	v8 =	vand.u32 $0x3FF, v16;
	[tilespmem:v18+s24+$0x0] =	vst.idx.add.s32.msk $0xffff, v11  }
0xa1: {  	v16 =	vand.u32 $0x3FF, v12;
	v11 =	vshra.s32 v12, $0xA;
	v12 =	vadd.s32 $0x1, v13;
	[tilespmem:v20+s24+$0x0] =	vst.idx.add.s32.msk $0xffff, v17  }
0xa2: {  	v15 =	vand.u32 $0x3FF, v15;
	v13 =	vmul.u32 $0xFFFF, v11;
	v11 =	vor.u32 v3, v16;
	v9 =	vld.idx.msk [tilespmem:v19+s20+$0x0], $0xffff  }
0xa3: {  	_ =	sdelay $0x3  }
0xa4: {  	v6 =	vld.idx.msk [tilespmem:v6+s20+$0x0], $0xffff  }
0xa5: {  	v15 =	vor.u32 v3, v15;
	v14 =	vmul.u32 $0xFFFF, v14;
	v17 =	vand.u32 $0x3FF, v4  }
0xa6: {  	v8 =	vor.u32 v3, v8;
	v4 =	vshra.s32 v4, $0xA;
	v16 =	vand.u32 $0x3FF, v10  }
0xa7: {  	v13 =	vadd.s32 $0x1, v13;
	v58 =	vshra.s32 v10, $0xA;
	v16 =	vor.u32 v3, v16  }
0xa8: {  	[tilespmem:v5+s24+$0x0] =	vst.idx.add.s32.msk $0xffff, v7;
	v60 =	vor.u32 v3, v17;
	v4 =	vmul.u32 $0xFFFF, v4;
	v18 =	vand.u32 $0x3FF, v9  }
0xa9: {  	v10 =	vmul.u32 $0xFFFF, v58;
	[tilespmem:v11+s24+$0x0] =	vst.idx.add.s32.msk $0xffff, v13;
	v18 =	vor.u32 v3, v18;
	v61 =	vand.u32 $0x3FF, v6  }
0xaa: {  	v63 =	vadd.s32 $0x1, v14;
	v59 =	vshra.s32 v9, $0xA;
	[tilespmem:v15+s24+$0x0] =	vst.idx.add.s32.msk $0xffff, v12;
	v62 =	vor.u32 v3, v61  }
0xab: {  	v5 =	vadd.s32 $0x1, v10;
	v9 =	vmul.u32 $0xFFFF, v59;
	v6 =	vshra.s32 v6, $0xA;
	[tilespmem:v8+s24+$0x0] =	vst.idx.add.s32.msk $0xffff, v63  }
0xac: {  	v4 =	vadd.s32 $0x1, v4;
	[tilespmem:v16+s24+$0x0] =	vst.idx.add.s32.msk $0xffff, v5;
	v5 =	vmul.u32 $0xFFFF, v6  }
0xad: {  	[tilespmem:v60+s24+$0x0] =	vst.idx.add.s32.msk $0xffff, v4;
	v9 =	vadd.s32 $0x1, v9  }
0xae: {  	v5 =	vadd.s32 $0x1, v5;
	[tilespmem:v18+s24+$0x0] =	vst.idx.add.s32.msk $0xffff, v9  }
0xaf: {  	[tilespmem:v62+s24+$0x0] =	vst.idx.add.s32.msk $0xffff, v5  }
0xb0: {  	[hbm4b:s7+s2] =	stream.linear.scatter [tilespmem:s24], [sflag:$0x4], $0x4000, $0x38;
	[tilespmem:$0xC000] =	vst v63  }
0xb1: {  	_ = 	snop  }
0xb2: {  	[tilespmem:s20], [sflag:$0x2] =	stream.linear.gather [hbm4b:s8+s2], $0x2000, $0x38;
	[tilespmem:$0xC000] =	vst v63  }
0xb3: {  	_ =	swait.ge [sflag:s21], $0x2000  }
0xb4: {  	[sflag:s21] =	ssyncset.done $0x0  }
0xb5: {  	[sflag:s21] =	ssyncadd.s32 $0xFFFFE000  }
0xb6: {  	_ =	swait.ge [sflag:s25], $0x4000  }
0xb7: {  	[sflag:s25] =	ssyncset.done $0x0  }
0xb8: {  	s29 =	simm.s32 $0x4040;
	[sflag:s25] =	ssyncadd.s32 $0xFFFFC000  }
0xb9: {  	[tilespmem:s29+$0xFFFFFFC0] =	vst v1  }
0xba: {  	[tilespmem:s29+$0x30] =	vst v1  }
0xbb: {  	[tilespmem:s29+$0x20] =	vst v1  }
0xbc: {  	[tilespmem:s29+$0x10] =	vst v1  }
0xbd: {  	[tilespmem:s29+$0x0] =	vst v1  }
0xbe: {  	[tilespmem:s29+$0xFFFFFFF0] =	vst v1  }
0xbf: {  	s30 =	simm.s32 $0x0;
	[tilespmem:s29+$0xFFFFFFE0] =	vst v1  }
.LBB2_10:
0xc0: {  	s30 =	sadd.s32 $0x80, s30;
	[tilespmem:s29+$0xFFFFFFD0] =	vst v1;
	s29 =	sadd.s32 $0x80, s29  }
0xc1: {  	[tilespmem:s29+$0xFFFFFFC0] =	vst v1;
	p0 =	slt.u32 s30, $0x3F80  }
0xc2: {  	[tilespmem:s29+$0x30] =	vst v1  }
.Ltmp4:
0xc3: {  	[tilespmem:s29+$0x20] =	vst v1;
	(pc) =	sbr.rel @p0 .LBB2_10-.Ltmp4, $4  }
0xc4: {  	[tilespmem:s29+$0x10] =	vst v1  }
0xc5: {  	[tilespmem:s29+$0x0] =	vst v1  }
0xc6: {  	[tilespmem:s29+$0xFFFFFFF0] =	vst v1  }
0xc7: {  	[tilespmem:s29+$0xFFFFFFE0] =	vst v1  }
0xc8: {  	s0 =	simm.s32 $0x0  }
0xc9: {  	s1 =	simm.s32 $0x7;
	v4 =	vadd.s32 s0, v0  }
0xca: {  	s30 =	simm.s32 $0x4;
	v5 =	vadd.s32 s1, v0;
	v4 =	vand.u32 $0x1FF, v4  }
0xcb: {  	v6 =	vadd.s32 s30, v0;
	v5 =	vand.u32 $0x1FF, v5;
	v4 =	vor.u32 v2, v4  }
0xcc: {  	s31 =	simm.s32 $0x5;
	v6 =	vand.u32 $0x1FF, v6;
	v5 =	vor.u32 v2, v5  }
0xcd: {  	v7 =	vadd.s32 s31, v0;
	v6 =	vor.u32 v2, v6  }
0xce: {  	v7 =	vand.u32 $0x1FF, v7  }
0xcf: {  	[tilespmem:s29+$0xFFFFFFD0] =	vst v1;
	v7 =	vor.u32 v2, v7  }
0xd0: {  	s1 =	simm.s32 $0x3;
	v4 =	vld.idx.msk [tilespmem:v4+s2+$0x0], $0xffff  }
0xd1: {  	s3 =	simm.s32 $0x6;
	s30 =	simm.s32 $0x1;
	v8 =	vadd.s32 s1, v0;
	v15 =	vld.idx.msk [tilespmem:v5+s2+$0x0], $0xffff  }
0xd2: {  	s31 =	simm.s32 $0x2;
	v9 =	vadd.s32 s30, v0;
	v8 =	vand.u32 $0x1FF, v8;
	v5 =	vadd.s32 s3, v0;
	v10 =	vld.idx.msk [tilespmem:v6+s2+$0x0], $0xffff  }
0xd3: {  	v8 =	vor.u32 v2, v8;
	v6 =	vadd.s32 s31, v0;
	v5 =	vand.u32 $0x1FF, v5  }
0xd4: {  	v6 =	vand.u32 $0x1FF, v6;
	v11 =	vor.u32 v2, v5;
	v5 =	vand.u32 $0x1FF, v9;
	v9 =	vld.idx.msk [tilespmem:v7+s2+$0x0], $0xffff  }
0xd5: {  	v6 =	vor.u32 v2, v6;
	v13 =	vor.u32 v2, v5  }
0xd6: {  	v5 =	vshra.s32 v4, $0xA;
	v4 =	vand.u32 $0x3FF, v4;
	v12 =	vshra.s32 v15, $0xA  }
0xd7: {  	v14 =	vshra.s32 v10, $0xA;
	v15 =	vand.u32 $0x3FF, v15;
	v7 =	vmul.u32 $0xFFFF, v5  }
0xd8: {  	v5 =	vor.u32 v3, v4;
	v12 =	vmul.u32 $0xFFFF, v12;
	v4 =	vld.idx.msk [tilespmem:v8+s2+$0x0], $0xffff;
	v8 =	vand.u32 $0x3FF, v10  }
0xd9: {  	v10 =	vld.idx.msk [tilespmem:v11+s2+$0x0], $0xffff;
	v11 =	vshra.s32 v9, $0xA;
	v16 =	vand.u32 $0x3FF, v9;
	v7 =	vadd.s32 $0x1, v7  }
0xda: {  	s29 =	simm.s32 $0x8;
	v12 =	vadd.s32 $0x1, v12;
	v9 =	vld.idx.msk [tilespmem:v13+s2+$0x0], $0xffff;
	v13 =	vmul.u32 $0xFFFF, v11;
	v11 =	vor.u32 v3, v16  }
.LBB2_12:
0xdb: {  	s0 =	sadd.s32 $0x1, s29  }
0xdc: {  	s1 =	sadd.s32 $0x2, s29;
	s3 =	sadd.s32 $0x3, s29;
	v14 =	vmul.u32 $0xFFFF, v14;
	v15 =	vor.u32 v3, v15;
	s30 =	smov.u32 s29  }
0xdd: {  	s31 =	sadd.s32 $0x6, s29;
	v18 =	vand.u32 $0x3FF, v4;
	v16 =	vadd.s32 s0, v0;
	v17 =	vadd.s32 s1, v0;
	s0 =	sadd.s32 $0x4, s29;
	s1 =	sadd.s32 $0x5, s29  }
0xde: {  	p0 =	slt.u32 s29, $0x1F8;
	s29 =	sadd.s32 $0x8, s29;
	v21 =	vand.u32 $0x3FF, v10;
	v19 =	vadd.s32 s0, v0;
	v20 =	vadd.s32 s1, v0;
	s0 =	sadd.s32 $0x7, s30  }
0xdf: {  	v22 =	vadd.s32 s30, v0;
	v21 =	vor.u32 v3, v21;
	v23 =	vadd.s32 s0, v0  }
0xe0: {  	v18 =	vor.u32 v3, v18;
	v22 =	vand.u32 $0x1FF, v22;
	v20 =	vand.u32 $0x1FF, v20  }
0xe1: {  	v22 =	vor.u32 v2, v22;
	v23 =	vand.u32 $0x1FF, v23;
	v24 =	vand.u32 $0x3FF, v9;
	[tilespmem:v15+s22+$0x0] =	vst.idx.add.s32.msk $0xffff, v12  }
0xe2: {  	v13 =	vadd.s32 $0x1, v13;
	v12 =	vor.u32 v2, v20;
	v15 =	vor.u32 v2, v23  }
0xe3: {  	v19 =	vand.u32 $0x1FF, v19;
	v20 =	vadd.s32 s31, v0;
	v23 =	vld.idx.msk [tilespmem:v6+s2+$0x0], $0xffff;
	v6 =	vshra.s32 v10, $0xA  }
0xe4: {  	v10 =	vor.u32 v2, v19;
	v19 =	vand.u32 $0x1FF, v20;
	[tilespmem:v11+s22+$0x0] =	vst.idx.add.s32.msk $0xffff, v13;
	v11 =	vmul.u32 $0xFFFF, v6  }
0xe5: {  	v6 =	vand.u32 $0x1FF, v17;
	v13 =	vor.u32 v2, v19;
	[tilespmem:v5+s22+$0x0] =	vst.idx.add.s32.msk $0xffff, v7;
	v5 =	vor.u32 v3, v8  }
0xe6: {  	v17 =	vor.u32 v3, v24;
	v8 =	vand.u32 $0x1FF, v16;
	v16 =	vadd.s32 s3, v0;
	v7 =	vld.idx.msk [tilespmem:v22+s2+$0x0], $0xffff  }
0xe7: {  	v9 =	vshra.s32 v9, $0xA;
	v19 =	vor.u32 v2, v8;
	v8 =	vand.u32 $0x1FF, v16;
	v15 =	vld.idx.msk [tilespmem:v15+s2+$0x0], $0xffff  }
0xe8: {  	v9 =	vmul.u32 $0xFFFF, v9;
	v6 =	vor.u32 v2, v6;
	v8 =	vor.u32 v2, v8;
	v12 =	vld.idx.msk [tilespmem:v12+s2+$0x0], $0xffff  }
0xe9: {  	v11 =	vadd.s32 $0x1, v11;
	v20 =	vand.u32 $0x3FF, v23;
	v16 =	vld.idx.msk [tilespmem:v10+s2+$0x0], $0xffff;
	v10 =	vshra.s32 v23, $0xA  }
0xea: {  	v9 =	vadd.s32 $0x1, v9;
	v20 =	vor.u32 v3, v20;
	v22 =	vmul.u32 $0xFFFF, v10;
	[tilespmem:v21+s22+$0x0] =	vst.idx.add.s32.msk $0xffff, v11  }
0xeb: {  	v4 =	vshra.s32 v4, $0xA;
	[tilespmem:v17+s22+$0x0] =	vst.idx.add.s32.msk $0xffff, v9;
	v9 =	vadd.s32 $0x1, v14  }
0xec: {  	v11 =	vmul.u32 $0xFFFF, v4;
	v10 =	vshra.s32 v7, $0xA;
	v7 =	vand.u32 $0x3FF, v7;
	[tilespmem:v5+s22+$0x0] =	vst.idx.add.s32.msk $0xffff, v9  }
.Ltmp5:
0xed: {  	v9 =	vmul.u32 $0xFFFF, v10;
	v5 =	vor.u32 v3, v7;
	v7 =	vshra.s32 v15, $0xA;
	v4 =	vld.idx.msk [tilespmem:v8+s2+$0x0], $0xffff;
	(pc) =	sbr.rel @p0 .LBB2_12-.Ltmp5, $4  }
0xee: {  	v17 =	vadd.s32 $0x1, v22;
	v11 =	vadd.s32 $0x1, v11;
	v10 =	vld.idx.msk [tilespmem:v13+s2+$0x0], $0xffff;
	v13 =	vmul.u32 $0xFFFF, v7  }
0xef: {  	v7 =	vadd.s32 $0x1, v9;
	v14 =	vshra.s32 v16, $0xA;
	v8 =	vand.u32 $0x3FF, v16;
	[tilespmem:v18+s22+$0x0] =	vst.idx.add.s32.msk $0xffff, v11  }
0xf0: {  	v16 =	vand.u32 $0x3FF, v12;
	v11 =	vshra.s32 v12, $0xA;
	v12 =	vadd.s32 $0x1, v13;
	[tilespmem:v20+s22+$0x0] =	vst.idx.add.s32.msk $0xffff, v17  }
0xf1: {  	v15 =	vand.u32 $0x3FF, v15;
	v13 =	vmul.u32 $0xFFFF, v11;
	v11 =	vor.u32 v3, v16;
	v9 =	vld.idx.msk [tilespmem:v19+s2+$0x0], $0xffff  }
0xf2: {  	_ =	sdelay $0x3  }
0xf3: {  	v6 =	vld.idx.msk [tilespmem:v6+s2+$0x0], $0xffff  }
0xf4: {  	v15 =	vor.u32 v3, v15;
	v14 =	vmul.u32 $0xFFFF, v14;
	v17 =	vand.u32 $0x3FF, v4  }
0xf5: {  	v8 =	vor.u32 v3, v8;
	v4 =	vshra.s32 v4, $0xA;
	v16 =	vand.u32 $0x3FF, v10  }
0xf6: {  	v13 =	vadd.s32 $0x1, v13;
	v58 =	vshra.s32 v10, $0xA;
	v16 =	vor.u32 v3, v16  }
0xf7: {  	[tilespmem:v5+s22+$0x0] =	vst.idx.add.s32.msk $0xffff, v7;
	v60 =	vor.u32 v3, v17;
	v4 =	vmul.u32 $0xFFFF, v4;
	v18 =	vand.u32 $0x3FF, v9  }
0xf8: {  	v10 =	vmul.u32 $0xFFFF, v58;
	[tilespmem:v11+s22+$0x0] =	vst.idx.add.s32.msk $0xffff, v13;
	v18 =	vor.u32 v3, v18;
	v61 =	vand.u32 $0x3FF, v6  }
0xf9: {  	v63 =	vadd.s32 $0x1, v14;
	v59 =	vshra.s32 v9, $0xA;
	[tilespmem:v15+s22+$0x0] =	vst.idx.add.s32.msk $0xffff, v12;
	v62 =	vor.u32 v3, v61  }
0xfa: {  	v5 =	vadd.s32 $0x1, v10;
	v9 =	vmul.u32 $0xFFFF, v59;
	v6 =	vshra.s32 v6, $0xA;
	[tilespmem:v8+s22+$0x0] =	vst.idx.add.s32.msk $0xffff, v63  }
0xfb: {  	v4 =	vadd.s32 $0x1, v4;
	[tilespmem:v16+s22+$0x0] =	vst.idx.add.s32.msk $0xffff, v5;
	v5 =	vmul.u32 $0xFFFF, v6  }
0xfc: {  	[tilespmem:v60+s22+$0x0] =	vst.idx.add.s32.msk $0xffff, v4;
	v9 =	vadd.s32 $0x1, v9  }
0xfd: {  	v5 =	vadd.s32 $0x1, v5;
	[tilespmem:v18+s22+$0x0] =	vst.idx.add.s32.msk $0xffff, v9  }
0xfe: {  	[tilespmem:v62+s22+$0x0] =	vst.idx.add.s32.msk $0xffff, v5  }
0xff: {  	[hbm4b:s9+s2] =	stream.linear.scatter [tilespmem:s22], [sflag:$0x3], $0x4000, $0x38;
	[tilespmem:$0xC000] =	vst v63  }
0x100: {  	_ = 	snop  }
0x101: {  	[tilespmem:s2], [sflag:$0x1] =	stream.linear.gather [hbm4b:s10+s2], $0x2000, $0x38;
	[tilespmem:$0xC000] =	vst v63  }
0x102: {  	_ =	swait.ge [sflag:s23], $0x2000  }
0x103: {  	[sflag:s23] =	ssyncset.done $0x0  }
0x104: {  	[sflag:s23] =	ssyncadd.s32 $0xFFFFE000  }
0x105: {  	_ =	swait.ge [sflag:s26], $0x4000  }
0x106: {  	[sflag:s26] =	ssyncset.done $0x0  }
0x107: {  	s29 =	simm.s32 $0x8040;
	[sflag:s26] =	ssyncadd.s32 $0xFFFFC000  }
0x108: {  	[tilespmem:s29+$0xFFFFFFC0] =	vst v1  }
0x109: {  	[tilespmem:s29+$0x30] =	vst v1  }
0x10a: {  	[tilespmem:s29+$0x20] =	vst v1  }
0x10b: {  	[tilespmem:s29+$0x10] =	vst v1  }
0x10c: {  	[tilespmem:s29+$0x0] =	vst v1  }
0x10d: {  	[tilespmem:s29+$0xFFFFFFF0] =	vst v1  }
0x10e: {  	s30 =	simm.s32 $0x0;
	[tilespmem:s29+$0xFFFFFFE0] =	vst v1  }
.LBB2_14:
0x10f: {  	s30 =	sadd.s32 $0x80, s30;
	[tilespmem:s29+$0xFFFFFFD0] =	vst v1;
	s29 =	sadd.s32 $0x80, s29  }
0x110: {  	[tilespmem:s29+$0xFFFFFFC0] =	vst v1;
	p0 =	slt.u32 s30, $0x3F80  }
0x111: {  	[tilespmem:s29+$0x30] =	vst v1  }
.Ltmp6:
0x112: {  	[tilespmem:s29+$0x20] =	vst v1;
	(pc) =	sbr.rel @p0 .LBB2_14-.Ltmp6, $4  }
0x113: {  	[tilespmem:s29+$0x10] =	vst v1  }
0x114: {  	[tilespmem:s29+$0x0] =	vst v1  }
0x115: {  	[tilespmem:s29+$0xFFFFFFF0] =	vst v1  }
0x116: {  	[tilespmem:s29+$0xFFFFFFE0] =	vst v1  }
0x117: {  	s0 =	simm.s32 $0x0  }
0x118: {  	s1 =	simm.s32 $0x7;
	v4 =	vadd.s32 s0, v0  }
0x119: {  	s30 =	simm.s32 $0x4;
	v5 =	vadd.s32 s1, v0;
	v4 =	vand.u32 $0x1FF, v4  }
0x11a: {  	v6 =	vadd.s32 s30, v0;
	v5 =	vand.u32 $0x1FF, v5;
	v4 =	vor.u32 v2, v4  }
0x11b: {  	s31 =	simm.s32 $0x5;
	v6 =	vand.u32 $0x1FF, v6;
	v5 =	vor.u32 v2, v5  }
0x11c: {  	v7 =	vadd.s32 s31, v0;
	v6 =	vor.u32 v2, v6  }
0x11d: {  	v7 =	vand.u32 $0x1FF, v7  }
0x11e: {  	[tilespmem:s29+$0xFFFFFFD0] =	vst v1;
	v7 =	vor.u32 v2, v7  }
0x11f: {  	s1 =	simm.s32 $0x3;
	v4 =	vld.idx.msk [tilespmem:v4+s20+$0x0], $0xffff  }
0x120: {  	s3 =	simm.s32 $0x6;
	s30 =	simm.s32 $0x1;
	v8 =	vadd.s32 s1, v0;
	v15 =	vld.idx.msk [tilespmem:v5+s20+$0x0], $0xffff  }
0x121: {  	s31 =	simm.s32 $0x2;
	v9 =	vadd.s32 s30, v0;
	v8 =	vand.u32 $0x1FF, v8;
	v5 =	vadd.s32 s3, v0;
	v10 =	vld.idx.msk [tilespmem:v6+s20+$0x0], $0xffff  }
0x122: {  	v8 =	vor.u32 v2, v8;
	v6 =	vadd.s32 s31, v0;
	v5 =	vand.u32 $0x1FF, v5  }
0x123: {  	v6 =	vand.u32 $0x1FF, v6;
	v11 =	vor.u32 v2, v5;
	v5 =	vand.u32 $0x1FF, v9;
	v9 =	vld.idx.msk [tilespmem:v7+s20+$0x0], $0xffff  }
0x124: {  	v6 =	vor.u32 v2, v6;
	v13 =	vor.u32 v2, v5  }
0x125: {  	v5 =	vshra.s32 v4, $0xA;
	v4 =	vand.u32 $0x3FF, v4;
	v12 =	vshra.s32 v15, $0xA  }
0x126: {  	v14 =	vshra.s32 v10, $0xA;
	v15 =	vand.u32 $0x3FF, v15;
	v7 =	vmul.u32 $0xFFFF, v5  }
0x127: {  	v5 =	vor.u32 v3, v4;
	v12 =	vmul.u32 $0xFFFF, v12;
	v4 =	vld.idx.msk [tilespmem:v8+s20+$0x0], $0xffff;
	v8 =	vand.u32 $0x3FF, v10  }
0x128: {  	v10 =	vld.idx.msk [tilespmem:v11+s20+$0x0], $0xffff;
	v11 =	vshra.s32 v9, $0xA;
	v16 =	vand.u32 $0x3FF, v9;
	v7 =	vadd.s32 $0x1, v7  }
0x129: {  	s29 =	simm.s32 $0x8;
	v12 =	vadd.s32 $0x1, v12;
	v9 =	vld.idx.msk [tilespmem:v13+s20+$0x0], $0xffff;
	v13 =	vmul.u32 $0xFFFF, v11;
	v11 =	vor.u32 v3, v16  }
.LBB2_16:
0x12a: {  	s0 =	sadd.s32 $0x1, s29  }
0x12b: {  	s1 =	sadd.s32 $0x2, s29;
	s3 =	sadd.s32 $0x3, s29;
	v14 =	vmul.u32 $0xFFFF, v14;
	v15 =	vor.u32 v3, v15;
	s30 =	smov.u32 s29  }
0x12c: {  	s31 =	sadd.s32 $0x6, s29;
	v18 =	vand.u32 $0x3FF, v4;
	v16 =	vadd.s32 s0, v0;
	v17 =	vadd.s32 s1, v0;
	s0 =	sadd.s32 $0x4, s29;
	s1 =	sadd.s32 $0x5, s29  }
0x12d: {  	p0 =	slt.u32 s29, $0x1F8;
	s29 =	sadd.s32 $0x8, s29;
	v21 =	vand.u32 $0x3FF, v10;
	v19 =	vadd.s32 s0, v0;
	v20 =	vadd.s32 s1, v0;
	s0 =	sadd.s32 $0x7, s30  }
0x12e: {  	v22 =	vadd.s32 s30, v0;
	v21 =	vor.u32 v3, v21;
	v23 =	vadd.s32 s0, v0  }
0x12f: {  	v18 =	vor.u32 v3, v18;
	v22 =	vand.u32 $0x1FF, v22;
	v20 =	vand.u32 $0x1FF, v20  }
0x130: {  	v22 =	vor.u32 v2, v22;
	v23 =	vand.u32 $0x1FF, v23;
	v24 =	vand.u32 $0x3FF, v9;
	[tilespmem:v15+s24+$0x0] =	vst.idx.add.s32.msk $0xffff, v12  }
0x131: {  	v13 =	vadd.s32 $0x1, v13;
	v12 =	vor.u32 v2, v20;
	v15 =	vor.u32 v2, v23  }
0x132: {  	v19 =	vand.u32 $0x1FF, v19;
	v20 =	vadd.s32 s31, v0;
	v23 =	vld.idx.msk [tilespmem:v6+s20+$0x0], $0xffff;
	v6 =	vshra.s32 v10, $0xA  }
0x133: {  	v10 =	vor.u32 v2, v19;
	v19 =	vand.u32 $0x1FF, v20;
	[tilespmem:v11+s24+$0x0] =	vst.idx.add.s32.msk $0xffff, v13;
	v11 =	vmul.u32 $0xFFFF, v6  }
0x134: {  	v6 =	vand.u32 $0x1FF, v17;
	v13 =	vor.u32 v2, v19;
	[tilespmem:v5+s24+$0x0] =	vst.idx.add.s32.msk $0xffff, v7;
	v5 =	vor.u32 v3, v8  }
0x135: {  	v17 =	vor.u32 v3, v24;
	v8 =	vand.u32 $0x1FF, v16;
	v16 =	vadd.s32 s3, v0;
	v7 =	vld.idx.msk [tilespmem:v22+s20+$0x0], $0xffff  }
0x136: {  	v9 =	vshra.s32 v9, $0xA;
	v19 =	vor.u32 v2, v8;
	v8 =	vand.u32 $0x1FF, v16;
	v15 =	vld.idx.msk [tilespmem:v15+s20+$0x0], $0xffff  }
0x137: {  	v9 =	vmul.u32 $0xFFFF, v9;
	v6 =	vor.u32 v2, v6;
	v8 =	vor.u32 v2, v8;
	v12 =	vld.idx.msk [tilespmem:v12+s20+$0x0], $0xffff  }
0x138: {  	v11 =	vadd.s32 $0x1, v11;
	v20 =	vand.u32 $0x3FF, v23;
	v16 =	vld.idx.msk [tilespmem:v10+s20+$0x0], $0xffff;
	v10 =	vshra.s32 v23, $0xA  }
0x139: {  	v9 =	vadd.s32 $0x1, v9;
	v20 =	vor.u32 v3, v20;
	v22 =	vmul.u32 $0xFFFF, v10;
	[tilespmem:v21+s24+$0x0] =	vst.idx.add.s32.msk $0xffff, v11  }
0x13a: {  	v4 =	vshra.s32 v4, $0xA;
	[tilespmem:v17+s24+$0x0] =	vst.idx.add.s32.msk $0xffff, v9;
	v9 =	vadd.s32 $0x1, v14  }
0x13b: {  	v11 =	vmul.u32 $0xFFFF, v4;
	v10 =	vshra.s32 v7, $0xA;
	v7 =	vand.u32 $0x3FF, v7;
	[tilespmem:v5+s24+$0x0] =	vst.idx.add.s32.msk $0xffff, v9  }
.Ltmp7:
0x13c: {  	v9 =	vmul.u32 $0xFFFF, v10;
	v5 =	vor.u32 v3, v7;
	v7 =	vshra.s32 v15, $0xA;
	v4 =	vld.idx.msk [tilespmem:v8+s20+$0x0], $0xffff;
	(pc) =	sbr.rel @p0 .LBB2_16-.Ltmp7, $4  }
0x13d: {  	v17 =	vadd.s32 $0x1, v22;
	v11 =	vadd.s32 $0x1, v11;
	v10 =	vld.idx.msk [tilespmem:v13+s20+$0x0], $0xffff;
	v13 =	vmul.u32 $0xFFFF, v7  }
0x13e: {  	v7 =	vadd.s32 $0x1, v9;
	v14 =	vshra.s32 v16, $0xA;
	v8 =	vand.u32 $0x3FF, v16;
	[tilespmem:v18+s24+$0x0] =	vst.idx.add.s32.msk $0xffff, v11  }
0x13f: {  	v16 =	vand.u32 $0x3FF, v12;
	v11 =	vshra.s32 v12, $0xA;
	v12 =	vadd.s32 $0x1, v13;
	[tilespmem:v20+s24+$0x0] =	vst.idx.add.s32.msk $0xffff, v17  }
0x140: {  	v15 =	vand.u32 $0x3FF, v15;
	v13 =	vmul.u32 $0xFFFF, v11;
	v11 =	vor.u32 v3, v16;
	v9 =	vld.idx.msk [tilespmem:v19+s20+$0x0], $0xffff  }
0x141: {  	_ =	sdelay $0x3  }
0x142: {  	v6 =	vld.idx.msk [tilespmem:v6+s20+$0x0], $0xffff  }
0x143: {  	v15 =	vor.u32 v3, v15;
	v14 =	vmul.u32 $0xFFFF, v14;
	v17 =	vand.u32 $0x3FF, v4  }
0x144: {  	v8 =	vor.u32 v3, v8;
	v4 =	vshra.s32 v4, $0xA;
	v16 =	vand.u32 $0x3FF, v10  }
0x145: {  	v13 =	vadd.s32 $0x1, v13;
	v58 =	vshra.s32 v10, $0xA;
	v16 =	vor.u32 v3, v16  }
0x146: {  	[tilespmem:v5+s24+$0x0] =	vst.idx.add.s32.msk $0xffff, v7;
	v60 =	vor.u32 v3, v17;
	v4 =	vmul.u32 $0xFFFF, v4;
	v18 =	vand.u32 $0x3FF, v9  }
0x147: {  	v10 =	vmul.u32 $0xFFFF, v58;
	[tilespmem:v11+s24+$0x0] =	vst.idx.add.s32.msk $0xffff, v13;
	v18 =	vor.u32 v3, v18;
	v61 =	vand.u32 $0x3FF, v6  }
0x148: {  	v63 =	vadd.s32 $0x1, v14;
	v59 =	vshra.s32 v9, $0xA;
	[tilespmem:v15+s24+$0x0] =	vst.idx.add.s32.msk $0xffff, v12;
	v62 =	vor.u32 v3, v61  }
0x149: {  	v5 =	vadd.s32 $0x1, v10;
	v9 =	vmul.u32 $0xFFFF, v59;
	v6 =	vshra.s32 v6, $0xA;
	[tilespmem:v8+s24+$0x0] =	vst.idx.add.s32.msk $0xffff, v63  }
0x14a: {  	v4 =	vadd.s32 $0x1, v4;
	[tilespmem:v16+s24+$0x0] =	vst.idx.add.s32.msk $0xffff, v5;
	v5 =	vmul.u32 $0xFFFF, v6  }
0x14b: {  	[tilespmem:v60+s24+$0x0] =	vst.idx.add.s32.msk $0xffff, v4;
	v9 =	vadd.s32 $0x1, v9  }
0x14c: {  	v5 =	vadd.s32 $0x1, v5;
	[tilespmem:v18+s24+$0x0] =	vst.idx.add.s32.msk $0xffff, v9  }
0x14d: {  	[tilespmem:v62+s24+$0x0] =	vst.idx.add.s32.msk $0xffff, v5  }
0x14e: {  	[hbm4b:s11+s2] =	stream.linear.scatter [tilespmem:s24], [sflag:$0x4], $0x4000, $0x38;
	[tilespmem:$0xC000] =	vst v63  }
0x14f: {  	_ = 	snop  }
0x150: {  	[tilespmem:s20], [sflag:$0x2] =	stream.linear.gather [hbm4b:s12+s2], $0x2000, $0x38;
	[tilespmem:$0xC000] =	vst v63  }
0x151: {  	_ =	swait.ge [sflag:s21], $0x2000  }
0x152: {  	[sflag:s21] =	ssyncset.done $0x0  }
0x153: {  	[sflag:s21] =	ssyncadd.s32 $0xFFFFE000  }
0x154: {  	_ =	swait.ge [sflag:s25], $0x4000  }
0x155: {  	[sflag:s25] =	ssyncset.done $0x0  }
0x156: {  	s29 =	simm.s32 $0x4040;
	[sflag:s25] =	ssyncadd.s32 $0xFFFFC000  }
0x157: {  	[tilespmem:s29+$0xFFFFFFC0] =	vst v1  }
0x158: {  	[tilespmem:s29+$0x30] =	vst v1  }
0x159: {  	[tilespmem:s29+$0x20] =	vst v1  }
0x15a: {  	[tilespmem:s29+$0x10] =	vst v1  }
0x15b: {  	[tilespmem:s29+$0x0] =	vst v1  }
0x15c: {  	[tilespmem:s29+$0xFFFFFFF0] =	vst v1  }
0x15d: {  	s30 =	simm.s32 $0x0;
	[tilespmem:s29+$0xFFFFFFE0] =	vst v1  }
.LBB2_18:
0x15e: {  	s30 =	sadd.s32 $0x80, s30;
	[tilespmem:s29+$0xFFFFFFD0] =	vst v1;
	s29 =	sadd.s32 $0x80, s29  }
0x15f: {  	[tilespmem:s29+$0xFFFFFFC0] =	vst v1;
	p0 =	slt.u32 s30, $0x3F80  }
0x160: {  	[tilespmem:s29+$0x30] =	vst v1  }
.Ltmp8:
0x161: {  	[tilespmem:s29+$0x20] =	vst v1;
	(pc) =	sbr.rel @p0 .LBB2_18-.Ltmp8, $4  }
0x162: {  	[tilespmem:s29+$0x10] =	vst v1  }
0x163: {  	[tilespmem:s29+$0x0] =	vst v1  }
0x164: {  	[tilespmem:s29+$0xFFFFFFF0] =	vst v1  }
0x165: {  	[tilespmem:s29+$0xFFFFFFE0] =	vst v1  }
0x166: {  	s0 =	simm.s32 $0x0  }
0x167: {  	s1 =	simm.s32 $0x7;
	v4 =	vadd.s32 s0, v0  }
0x168: {  	s30 =	simm.s32 $0x4;
	v5 =	vadd.s32 s1, v0;
	v4 =	vand.u32 $0x1FF, v4  }
0x169: {  	v6 =	vadd.s32 s30, v0;
	v5 =	vand.u32 $0x1FF, v5;
	v4 =	vor.u32 v2, v4  }
0x16a: {  	s31 =	simm.s32 $0x5;
	v6 =	vand.u32 $0x1FF, v6;
	v5 =	vor.u32 v2, v5  }
0x16b: {  	v7 =	vadd.s32 s31, v0;
	v6 =	vor.u32 v2, v6  }
0x16c: {  	v7 =	vand.u32 $0x1FF, v7  }
0x16d: {  	[tilespmem:s29+$0xFFFFFFD0] =	vst v1;
	v7 =	vor.u32 v2, v7  }
0x16e: {  	s1 =	simm.s32 $0x3;
	v4 =	vld.idx.msk [tilespmem:v4+s2+$0x0], $0xffff  }
0x16f: {  	s3 =	simm.s32 $0x6;
	s30 =	simm.s32 $0x1;
	v8 =	vadd.s32 s1, v0;
	v15 =	vld.idx.msk [tilespmem:v5+s2+$0x0], $0xffff  }
0x170: {  	s31 =	simm.s32 $0x2;
	v9 =	vadd.s32 s30, v0;
	v8 =	vand.u32 $0x1FF, v8;
	v5 =	vadd.s32 s3, v0;
	v10 =	vld.idx.msk [tilespmem:v6+s2+$0x0], $0xffff  }
0x171: {  	v8 =	vor.u32 v2, v8;
	v6 =	vadd.s32 s31, v0;
	v5 =	vand.u32 $0x1FF, v5  }
0x172: {  	v6 =	vand.u32 $0x1FF, v6;
	v11 =	vor.u32 v2, v5;
	v5 =	vand.u32 $0x1FF, v9;
	v9 =	vld.idx.msk [tilespmem:v7+s2+$0x0], $0xffff  }
0x173: {  	v6 =	vor.u32 v2, v6;
	v13 =	vor.u32 v2, v5  }
0x174: {  	v5 =	vshra.s32 v4, $0xA;
	v4 =	vand.u32 $0x3FF, v4;
	v12 =	vshra.s32 v15, $0xA  }
0x175: {  	v14 =	vshra.s32 v10, $0xA;
	v15 =	vand.u32 $0x3FF, v15;
	v7 =	vmul.u32 $0xFFFF, v5  }
0x176: {  	v5 =	vor.u32 v3, v4;
	v12 =	vmul.u32 $0xFFFF, v12;
	v4 =	vld.idx.msk [tilespmem:v8+s2+$0x0], $0xffff;
	v8 =	vand.u32 $0x3FF, v10  }
0x177: {  	v10 =	vld.idx.msk [tilespmem:v11+s2+$0x0], $0xffff;
	v11 =	vshra.s32 v9, $0xA;
	v16 =	vand.u32 $0x3FF, v9;
	v7 =	vadd.s32 $0x1, v7  }
0x178: {  	s29 =	simm.s32 $0x8;
	v12 =	vadd.s32 $0x1, v12;
	v9 =	vld.idx.msk [tilespmem:v13+s2+$0x0], $0xffff;
	v13 =	vmul.u32 $0xFFFF, v11;
	v11 =	vor.u32 v3, v16  }
.LBB2_20:
0x179: {  	s0 =	sadd.s32 $0x1, s29  }
0x17a: {  	s1 =	sadd.s32 $0x2, s29;
	s3 =	sadd.s32 $0x3, s29;
	v14 =	vmul.u32 $0xFFFF, v14;
	v15 =	vor.u32 v3, v15;
	s30 =	smov.u32 s29  }
0x17b: {  	s31 =	sadd.s32 $0x6, s29;
	v18 =	vand.u32 $0x3FF, v4;
	v16 =	vadd.s32 s0, v0;
	v17 =	vadd.s32 s1, v0;
	s0 =	sadd.s32 $0x4, s29;
	s1 =	sadd.s32 $0x5, s29  }
0x17c: {  	p0 =	slt.u32 s29, $0x1F8;
	s29 =	sadd.s32 $0x8, s29;
	v21 =	vand.u32 $0x3FF, v10;
	v19 =	vadd.s32 s0, v0;
	v20 =	vadd.s32 s1, v0;
	s0 =	sadd.s32 $0x7, s30  }
0x17d: {  	v22 =	vadd.s32 s30, v0;
	v21 =	vor.u32 v3, v21;
	v23 =	vadd.s32 s0, v0  }
0x17e: {  	v18 =	vor.u32 v3, v18;
	v22 =	vand.u32 $0x1FF, v22;
	v20 =	vand.u32 $0x1FF, v20  }
0x17f: {  	v22 =	vor.u32 v2, v22;
	v23 =	vand.u32 $0x1FF, v23;
	v24 =	vand.u32 $0x3FF, v9;
	[tilespmem:v15+s22+$0x0] =	vst.idx.add.s32.msk $0xffff, v12  }
0x180: {  	v13 =	vadd.s32 $0x1, v13;
	v12 =	vor.u32 v2, v20;
	v15 =	vor.u32 v2, v23  }
0x181: {  	v19 =	vand.u32 $0x1FF, v19;
	v20 =	vadd.s32 s31, v0;
	v23 =	vld.idx.msk [tilespmem:v6+s2+$0x0], $0xffff;
	v6 =	vshra.s32 v10, $0xA  }
0x182: {  	v10 =	vor.u32 v2, v19;
	v19 =	vand.u32 $0x1FF, v20;
	[tilespmem:v11+s22+$0x0] =	vst.idx.add.s32.msk $0xffff, v13;
	v11 =	vmul.u32 $0xFFFF, v6  }
0x183: {  	v6 =	vand.u32 $0x1FF, v17;
	v13 =	vor.u32 v2, v19;
	[tilespmem:v5+s22+$0x0] =	vst.idx.add.s32.msk $0xffff, v7;
	v5 =	vor.u32 v3, v8  }
0x184: {  	v17 =	vor.u32 v3, v24;
	v8 =	vand.u32 $0x1FF, v16;
	v16 =	vadd.s32 s3, v0;
	v7 =	vld.idx.msk [tilespmem:v22+s2+$0x0], $0xffff  }
0x185: {  	v9 =	vshra.s32 v9, $0xA;
	v19 =	vor.u32 v2, v8;
	v8 =	vand.u32 $0x1FF, v16;
	v15 =	vld.idx.msk [tilespmem:v15+s2+$0x0], $0xffff  }
0x186: {  	v9 =	vmul.u32 $0xFFFF, v9;
	v6 =	vor.u32 v2, v6;
	v8 =	vor.u32 v2, v8;
	v12 =	vld.idx.msk [tilespmem:v12+s2+$0x0], $0xffff  }
0x187: {  	v11 =	vadd.s32 $0x1, v11;
	v20 =	vand.u32 $0x3FF, v23;
	v16 =	vld.idx.msk [tilespmem:v10+s2+$0x0], $0xffff;
	v10 =	vshra.s32 v23, $0xA  }
0x188: {  	v9 =	vadd.s32 $0x1, v9;
	v20 =	vor.u32 v3, v20;
	v22 =	vmul.u32 $0xFFFF, v10;
	[tilespmem:v21+s22+$0x0] =	vst.idx.add.s32.msk $0xffff, v11  }
0x189: {  	v4 =	vshra.s32 v4, $0xA;
	[tilespmem:v17+s22+$0x0] =	vst.idx.add.s32.msk $0xffff, v9;
	v9 =	vadd.s32 $0x1, v14  }
0x18a: {  	v11 =	vmul.u32 $0xFFFF, v4;
	v10 =	vshra.s32 v7, $0xA;
	v7 =	vand.u32 $0x3FF, v7;
	[tilespmem:v5+s22+$0x0] =	vst.idx.add.s32.msk $0xffff, v9  }
.Ltmp9:
0x18b: {  	v9 =	vmul.u32 $0xFFFF, v10;
	v5 =	vor.u32 v3, v7;
	v7 =	vshra.s32 v15, $0xA;
	v4 =	vld.idx.msk [tilespmem:v8+s2+$0x0], $0xffff;
	(pc) =	sbr.rel @p0 .LBB2_20-.Ltmp9, $4  }
0x18c: {  	v17 =	vadd.s32 $0x1, v22;
	v11 =	vadd.s32 $0x1, v11;
	v10 =	vld.idx.msk [tilespmem:v13+s2+$0x0], $0xffff;
	v13 =	vmul.u32 $0xFFFF, v7  }
0x18d: {  	v7 =	vadd.s32 $0x1, v9;
	v14 =	vshra.s32 v16, $0xA;
	v8 =	vand.u32 $0x3FF, v16;
	[tilespmem:v18+s22+$0x0] =	vst.idx.add.s32.msk $0xffff, v11  }
0x18e: {  	v16 =	vand.u32 $0x3FF, v12;
	v11 =	vshra.s32 v12, $0xA;
	v12 =	vadd.s32 $0x1, v13;
	[tilespmem:v20+s22+$0x0] =	vst.idx.add.s32.msk $0xffff, v17  }
0x18f: {  	v15 =	vand.u32 $0x3FF, v15;
	v13 =	vmul.u32 $0xFFFF, v11;
	v11 =	vor.u32 v3, v16;
	v9 =	vld.idx.msk [tilespmem:v19+s2+$0x0], $0xffff  }
0x190: {  	_ =	sdelay $0x3  }
0x191: {  	v6 =	vld.idx.msk [tilespmem:v6+s2+$0x0], $0xffff  }
0x192: {  	v15 =	vor.u32 v3, v15;
	v14 =	vmul.u32 $0xFFFF, v14;
	v17 =	vand.u32 $0x3FF, v4  }
0x193: {  	v8 =	vor.u32 v3, v8;
	v4 =	vshra.s32 v4, $0xA;
	v16 =	vand.u32 $0x3FF, v10  }
0x194: {  	v13 =	vadd.s32 $0x1, v13;
	v58 =	vshra.s32 v10, $0xA;
	v16 =	vor.u32 v3, v16  }
0x195: {  	[tilespmem:v5+s22+$0x0] =	vst.idx.add.s32.msk $0xffff, v7;
	v60 =	vor.u32 v3, v17;
	v4 =	vmul.u32 $0xFFFF, v4;
	v18 =	vand.u32 $0x3FF, v9  }
0x196: {  	v10 =	vmul.u32 $0xFFFF, v58;
	[tilespmem:v11+s22+$0x0] =	vst.idx.add.s32.msk $0xffff, v13;
	v18 =	vor.u32 v3, v18;
	v61 =	vand.u32 $0x3FF, v6  }
0x197: {  	v63 =	vadd.s32 $0x1, v14;
	v59 =	vshra.s32 v9, $0xA;
	[tilespmem:v15+s22+$0x0] =	vst.idx.add.s32.msk $0xffff, v12;
	v62 =	vor.u32 v3, v61  }
0x198: {  	v5 =	vadd.s32 $0x1, v10;
	v9 =	vmul.u32 $0xFFFF, v59;
	v6 =	vshra.s32 v6, $0xA;
	[tilespmem:v8+s22+$0x0] =	vst.idx.add.s32.msk $0xffff, v63  }
0x199: {  	v4 =	vadd.s32 $0x1, v4;
	[tilespmem:v16+s22+$0x0] =	vst.idx.add.s32.msk $0xffff, v5;
	v5 =	vmul.u32 $0xFFFF, v6  }
0x19a: {  	[tilespmem:v60+s22+$0x0] =	vst.idx.add.s32.msk $0xffff, v4;
	v9 =	vadd.s32 $0x1, v9  }
0x19b: {  	v5 =	vadd.s32 $0x1, v5;
	[tilespmem:v18+s22+$0x0] =	vst.idx.add.s32.msk $0xffff, v9  }
0x19c: {  	[tilespmem:v62+s22+$0x0] =	vst.idx.add.s32.msk $0xffff, v5  }
0x19d: {  	[hbm4b:s13+s2] =	stream.linear.scatter [tilespmem:s22], [sflag:$0x3], $0x4000, $0x38;
	[tilespmem:$0xC000] =	vst v63  }
0x19e: {  	_ = 	snop  }
0x19f: {  	[tilespmem:s2], [sflag:$0x1] =	stream.linear.gather [hbm4b:s14+s2], $0x2000, $0x38;
	[tilespmem:$0xC000] =	vst v63  }
0x1a0: {  	_ =	swait.ge [sflag:s23], $0x2000  }
0x1a1: {  	[sflag:s23] =	ssyncset.done $0x0  }
0x1a2: {  	[sflag:s23] =	ssyncadd.s32 $0xFFFFE000  }
0x1a3: {  	_ =	swait.ge [sflag:s26], $0x4000  }
0x1a4: {  	[sflag:s26] =	ssyncset.done $0x0  }
0x1a5: {  	s29 =	simm.s32 $0x8040;
	[sflag:s26] =	ssyncadd.s32 $0xFFFFC000  }
0x1a6: {  	[tilespmem:s29+$0xFFFFFFC0] =	vst v1  }
0x1a7: {  	[tilespmem:s29+$0x30] =	vst v1  }
0x1a8: {  	[tilespmem:s29+$0x20] =	vst v1  }
0x1a9: {  	[tilespmem:s29+$0x10] =	vst v1  }
0x1aa: {  	[tilespmem:s29+$0x0] =	vst v1  }
0x1ab: {  	[tilespmem:s29+$0xFFFFFFF0] =	vst v1  }
0x1ac: {  	s30 =	simm.s32 $0x0;
	[tilespmem:s29+$0xFFFFFFE0] =	vst v1  }
.LBB2_22:
0x1ad: {  	s30 =	sadd.s32 $0x80, s30;
	[tilespmem:s29+$0xFFFFFFD0] =	vst v1;
	s29 =	sadd.s32 $0x80, s29  }
0x1ae: {  	[tilespmem:s29+$0xFFFFFFC0] =	vst v1;
	p0 =	slt.u32 s30, $0x3F80  }
0x1af: {  	[tilespmem:s29+$0x30] =	vst v1  }
.Ltmp10:
0x1b0: {  	[tilespmem:s29+$0x20] =	vst v1;
	(pc) =	sbr.rel @p0 .LBB2_22-.Ltmp10, $4  }
0x1b1: {  	[tilespmem:s29+$0x10] =	vst v1  }
0x1b2: {  	[tilespmem:s29+$0x0] =	vst v1  }
0x1b3: {  	[tilespmem:s29+$0xFFFFFFF0] =	vst v1  }
0x1b4: {  	[tilespmem:s29+$0xFFFFFFE0] =	vst v1  }
0x1b5: {  	s0 =	simm.s32 $0x0  }
0x1b6: {  	s1 =	simm.s32 $0x7;
	v4 =	vadd.s32 s0, v0  }
0x1b7: {  	s30 =	simm.s32 $0x4;
	v5 =	vadd.s32 s1, v0;
	v4 =	vand.u32 $0x1FF, v4  }
0x1b8: {  	v6 =	vadd.s32 s30, v0;
	v5 =	vand.u32 $0x1FF, v5;
	v4 =	vor.u32 v2, v4  }
0x1b9: {  	s31 =	simm.s32 $0x5;
	v6 =	vand.u32 $0x1FF, v6;
	v5 =	vor.u32 v2, v5  }
0x1ba: {  	v7 =	vadd.s32 s31, v0;
	v6 =	vor.u32 v2, v6  }
0x1bb: {  	v7 =	vand.u32 $0x1FF, v7  }
0x1bc: {  	[tilespmem:s29+$0xFFFFFFD0] =	vst v1;
	v7 =	vor.u32 v2, v7  }
0x1bd: {  	s1 =	simm.s32 $0x3;
	v4 =	vld.idx.msk [tilespmem:v4+s20+$0x0], $0xffff  }
0x1be: {  	s3 =	simm.s32 $0x6;
	s30 =	simm.s32 $0x1;
	v8 =	vadd.s32 s1, v0;
	v15 =	vld.idx.msk [tilespmem:v5+s20+$0x0], $0xffff  }
0x1bf: {  	s31 =	simm.s32 $0x2;
	v9 =	vadd.s32 s30, v0;
	v8 =	vand.u32 $0x1FF, v8;
	v5 =	vadd.s32 s3, v0;
	v10 =	vld.idx.msk [tilespmem:v6+s20+$0x0], $0xffff  }
0x1c0: {  	v8 =	vor.u32 v2, v8;
	v6 =	vadd.s32 s31, v0;
	v5 =	vand.u32 $0x1FF, v5  }
0x1c1: {  	v6 =	vand.u32 $0x1FF, v6;
	v11 =	vor.u32 v2, v5;
	v5 =	vand.u32 $0x1FF, v9;
	v9 =	vld.idx.msk [tilespmem:v7+s20+$0x0], $0xffff  }
0x1c2: {  	v6 =	vor.u32 v2, v6;
	v13 =	vor.u32 v2, v5  }
0x1c3: {  	v5 =	vshra.s32 v4, $0xA;
	v4 =	vand.u32 $0x3FF, v4;
	v12 =	vshra.s32 v15, $0xA  }
0x1c4: {  	v14 =	vshra.s32 v10, $0xA;
	v15 =	vand.u32 $0x3FF, v15;
	v7 =	vmul.u32 $0xFFFF, v5  }
0x1c5: {  	v5 =	vor.u32 v3, v4;
	v12 =	vmul.u32 $0xFFFF, v12;
	v4 =	vld.idx.msk [tilespmem:v8+s20+$0x0], $0xffff;
	v8 =	vand.u32 $0x3FF, v10  }
0x1c6: {  	v10 =	vld.idx.msk [tilespmem:v11+s20+$0x0], $0xffff;
	v11 =	vshra.s32 v9, $0xA;
	v16 =	vand.u32 $0x3FF, v9;
	v7 =	vadd.s32 $0x1, v7  }
0x1c7: {  	s29 =	simm.s32 $0x8;
	v12 =	vadd.s32 $0x1, v12;
	v9 =	vld.idx.msk [tilespmem:v13+s20+$0x0], $0xffff;
	v13 =	vmul.u32 $0xFFFF, v11;
	v11 =	vor.u32 v3, v16  }
.LBB2_24:
0x1c8: {  	s0 =	sadd.s32 $0x1, s29  }
0x1c9: {  	s1 =	sadd.s32 $0x2, s29;
	s3 =	sadd.s32 $0x3, s29;
	v14 =	vmul.u32 $0xFFFF, v14;
	v15 =	vor.u32 v3, v15;
	s30 =	smov.u32 s29  }
0x1ca: {  	s31 =	sadd.s32 $0x6, s29;
	v18 =	vand.u32 $0x3FF, v4;
	v16 =	vadd.s32 s0, v0;
	v17 =	vadd.s32 s1, v0;
	s0 =	sadd.s32 $0x4, s29;
	s1 =	sadd.s32 $0x5, s29  }
0x1cb: {  	p0 =	slt.u32 s29, $0x1F8;
	s29 =	sadd.s32 $0x8, s29;
	v21 =	vand.u32 $0x3FF, v10;
	v19 =	vadd.s32 s0, v0;
	v20 =	vadd.s32 s1, v0;
	s0 =	sadd.s32 $0x7, s30  }
0x1cc: {  	v22 =	vadd.s32 s30, v0;
	v21 =	vor.u32 v3, v21;
	v23 =	vadd.s32 s0, v0  }
0x1cd: {  	v18 =	vor.u32 v3, v18;
	v22 =	vand.u32 $0x1FF, v22;
	v20 =	vand.u32 $0x1FF, v20  }
0x1ce: {  	v22 =	vor.u32 v2, v22;
	v23 =	vand.u32 $0x1FF, v23;
	v24 =	vand.u32 $0x3FF, v9;
	[tilespmem:v15+s24+$0x0] =	vst.idx.add.s32.msk $0xffff, v12  }
0x1cf: {  	v13 =	vadd.s32 $0x1, v13;
	v12 =	vor.u32 v2, v20;
	v15 =	vor.u32 v2, v23  }
0x1d0: {  	v19 =	vand.u32 $0x1FF, v19;
	v20 =	vadd.s32 s31, v0;
	v23 =	vld.idx.msk [tilespmem:v6+s20+$0x0], $0xffff;
	v6 =	vshra.s32 v10, $0xA  }
0x1d1: {  	v10 =	vor.u32 v2, v19;
	v19 =	vand.u32 $0x1FF, v20;
	[tilespmem:v11+s24+$0x0] =	vst.idx.add.s32.msk $0xffff, v13;
	v11 =	vmul.u32 $0xFFFF, v6  }
0x1d2: {  	v6 =	vand.u32 $0x1FF, v17;
	v13 =	vor.u32 v2, v19;
	[tilespmem:v5+s24+$0x0] =	vst.idx.add.s32.msk $0xffff, v7;
	v5 =	vor.u32 v3, v8  }
0x1d3: {  	v17 =	vor.u32 v3, v24;
	v8 =	vand.u32 $0x1FF, v16;
	v16 =	vadd.s32 s3, v0;
	v7 =	vld.idx.msk [tilespmem:v22+s20+$0x0], $0xffff  }
0x1d4: {  	v9 =	vshra.s32 v9, $0xA;
	v19 =	vor.u32 v2, v8;
	v8 =	vand.u32 $0x1FF, v16;
	v15 =	vld.idx.msk [tilespmem:v15+s20+$0x0], $0xffff  }
0x1d5: {  	v9 =	vmul.u32 $0xFFFF, v9;
	v6 =	vor.u32 v2, v6;
	v8 =	vor.u32 v2, v8;
	v12 =	vld.idx.msk [tilespmem:v12+s20+$0x0], $0xffff  }
0x1d6: {  	v11 =	vadd.s32 $0x1, v11;
	v20 =	vand.u32 $0x3FF, v23;
	v16 =	vld.idx.msk [tilespmem:v10+s20+$0x0], $0xffff;
	v10 =	vshra.s32 v23, $0xA  }
0x1d7: {  	v9 =	vadd.s32 $0x1, v9;
	v20 =	vor.u32 v3, v20;
	v22 =	vmul.u32 $0xFFFF, v10;
	[tilespmem:v21+s24+$0x0] =	vst.idx.add.s32.msk $0xffff, v11  }
0x1d8: {  	v4 =	vshra.s32 v4, $0xA;
	[tilespmem:v17+s24+$0x0] =	vst.idx.add.s32.msk $0xffff, v9;
	v9 =	vadd.s32 $0x1, v14  }
0x1d9: {  	v11 =	vmul.u32 $0xFFFF, v4;
	v10 =	vshra.s32 v7, $0xA;
	v7 =	vand.u32 $0x3FF, v7;
	[tilespmem:v5+s24+$0x0] =	vst.idx.add.s32.msk $0xffff, v9  }
.Ltmp11:
0x1da: {  	v9 =	vmul.u32 $0xFFFF, v10;
	v5 =	vor.u32 v3, v7;
	v7 =	vshra.s32 v15, $0xA;
	v4 =	vld.idx.msk [tilespmem:v8+s20+$0x0], $0xffff;
	(pc) =	sbr.rel @p0 .LBB2_24-.Ltmp11, $4  }
0x1db: {  	v17 =	vadd.s32 $0x1, v22;
	v11 =	vadd.s32 $0x1, v11;
	v10 =	vld.idx.msk [tilespmem:v13+s20+$0x0], $0xffff;
	v13 =	vmul.u32 $0xFFFF, v7  }
0x1dc: {  	v7 =	vadd.s32 $0x1, v9;
	v14 =	vshra.s32 v16, $0xA;
	v8 =	vand.u32 $0x3FF, v16;
	[tilespmem:v18+s24+$0x0] =	vst.idx.add.s32.msk $0xffff, v11  }
0x1dd: {  	v16 =	vand.u32 $0x3FF, v12;
	v11 =	vshra.s32 v12, $0xA;
	v12 =	vadd.s32 $0x1, v13;
	[tilespmem:v20+s24+$0x0] =	vst.idx.add.s32.msk $0xffff, v17  }
0x1de: {  	v15 =	vand.u32 $0x3FF, v15;
	v13 =	vmul.u32 $0xFFFF, v11;
	v11 =	vor.u32 v3, v16;
	v9 =	vld.idx.msk [tilespmem:v19+s20+$0x0], $0xffff  }
0x1df: {  	_ =	sdelay $0x3  }
0x1e0: {  	v6 =	vld.idx.msk [tilespmem:v6+s20+$0x0], $0xffff  }
0x1e1: {  	v15 =	vor.u32 v3, v15;
	v14 =	vmul.u32 $0xFFFF, v14;
	v17 =	vand.u32 $0x3FF, v4  }
0x1e2: {  	v8 =	vor.u32 v3, v8;
	v4 =	vshra.s32 v4, $0xA;
	v16 =	vand.u32 $0x3FF, v10  }
0x1e3: {  	v13 =	vadd.s32 $0x1, v13;
	v58 =	vshra.s32 v10, $0xA;
	v16 =	vor.u32 v3, v16  }
0x1e4: {  	[tilespmem:v5+s24+$0x0] =	vst.idx.add.s32.msk $0xffff, v7;
	v60 =	vor.u32 v3, v17;
	v4 =	vmul.u32 $0xFFFF, v4;
	v18 =	vand.u32 $0x3FF, v9  }
0x1e5: {  	v10 =	vmul.u32 $0xFFFF, v58;
	[tilespmem:v11+s24+$0x0] =	vst.idx.add.s32.msk $0xffff, v13;
	v18 =	vor.u32 v3, v18;
	v61 =	vand.u32 $0x3FF, v6  }
0x1e6: {  	v63 =	vadd.s32 $0x1, v14;
	v59 =	vshra.s32 v9, $0xA;
	[tilespmem:v15+s24+$0x0] =	vst.idx.add.s32.msk $0xffff, v12;
	v62 =	vor.u32 v3, v61  }
0x1e7: {  	v5 =	vadd.s32 $0x1, v10;
	v9 =	vmul.u32 $0xFFFF, v59;
	v6 =	vshra.s32 v6, $0xA;
	[tilespmem:v8+s24+$0x0] =	vst.idx.add.s32.msk $0xffff, v63  }
0x1e8: {  	v4 =	vadd.s32 $0x1, v4;
	[tilespmem:v16+s24+$0x0] =	vst.idx.add.s32.msk $0xffff, v5;
	v5 =	vmul.u32 $0xFFFF, v6  }
0x1e9: {  	[tilespmem:v60+s24+$0x0] =	vst.idx.add.s32.msk $0xffff, v4;
	v9 =	vadd.s32 $0x1, v9  }
0x1ea: {  	v5 =	vadd.s32 $0x1, v5;
	[tilespmem:v18+s24+$0x0] =	vst.idx.add.s32.msk $0xffff, v9  }
0x1eb: {  	[tilespmem:v62+s24+$0x0] =	vst.idx.add.s32.msk $0xffff, v5  }
0x1ec: {  	[hbm4b:s15+s2] =	stream.linear.scatter [tilespmem:s24], [sflag:$0x4], $0x4000, $0x38;
	[tilespmem:$0xC000] =	vst v63  }
0x1ed: {  	_ = 	snop  }
0x1ee: {  	[tilespmem:s20], [sflag:$0x2] =	stream.linear.gather [hbm4b:s16+s2], $0x2000, $0x38;
	[tilespmem:$0xC000] =	vst v63  }
0x1ef: {  	_ =	swait.ge [sflag:s21], $0x2000  }
0x1f0: {  	[sflag:s21] =	ssyncset.done $0x0  }
0x1f1: {  	[sflag:s21] =	ssyncadd.s32 $0xFFFFE000  }
0x1f2: {  	_ =	swait.ge [sflag:s25], $0x4000  }
0x1f3: {  	[sflag:s25] =	ssyncset.done $0x0  }
0x1f4: {  	s29 =	simm.s32 $0x4040;
	[sflag:s25] =	ssyncadd.s32 $0xFFFFC000  }
0x1f5: {  	[tilespmem:s29+$0xFFFFFFC0] =	vst v1  }
0x1f6: {  	[tilespmem:s29+$0x30] =	vst v1  }
0x1f7: {  	[tilespmem:s29+$0x20] =	vst v1  }
0x1f8: {  	[tilespmem:s29+$0x10] =	vst v1  }
0x1f9: {  	[tilespmem:s29+$0x0] =	vst v1  }
0x1fa: {  	[tilespmem:s29+$0xFFFFFFF0] =	vst v1  }
0x1fb: {  	s30 =	simm.s32 $0x0;
	[tilespmem:s29+$0xFFFFFFE0] =	vst v1  }
.LBB2_26:
0x1fc: {  	s30 =	sadd.s32 $0x80, s30;
	[tilespmem:s29+$0xFFFFFFD0] =	vst v1;
	s29 =	sadd.s32 $0x80, s29  }
0x1fd: {  	[tilespmem:s29+$0xFFFFFFC0] =	vst v1;
	p0 =	slt.u32 s30, $0x3F80  }
0x1fe: {  	[tilespmem:s29+$0x30] =	vst v1  }
.Ltmp12:
0x1ff: {  	[tilespmem:s29+$0x20] =	vst v1;
	(pc) =	sbr.rel @p0 .LBB2_26-.Ltmp12, $4  }
0x200: {  	[tilespmem:s29+$0x10] =	vst v1  }
0x201: {  	[tilespmem:s29+$0x0] =	vst v1  }
0x202: {  	[tilespmem:s29+$0xFFFFFFF0] =	vst v1  }
0x203: {  	[tilespmem:s29+$0xFFFFFFE0] =	vst v1  }
0x204: {  	s0 =	simm.s32 $0x0  }
0x205: {  	s1 =	simm.s32 $0x7;
	v4 =	vadd.s32 s0, v0  }
0x206: {  	s30 =	simm.s32 $0x4;
	v5 =	vadd.s32 s1, v0;
	v4 =	vand.u32 $0x1FF, v4  }
0x207: {  	v6 =	vadd.s32 s30, v0;
	v5 =	vand.u32 $0x1FF, v5;
	v4 =	vor.u32 v2, v4  }
0x208: {  	s31 =	simm.s32 $0x5;
	v6 =	vand.u32 $0x1FF, v6;
	v5 =	vor.u32 v2, v5  }
0x209: {  	v7 =	vadd.s32 s31, v0;
	v6 =	vor.u32 v2, v6  }
0x20a: {  	v7 =	vand.u32 $0x1FF, v7  }
0x20b: {  	[tilespmem:s29+$0xFFFFFFD0] =	vst v1;
	v7 =	vor.u32 v2, v7  }
0x20c: {  	s1 =	simm.s32 $0x3;
	v4 =	vld.idx.msk [tilespmem:v4+s2+$0x0], $0xffff  }
0x20d: {  	s3 =	simm.s32 $0x6;
	s30 =	simm.s32 $0x1;
	v8 =	vadd.s32 s1, v0;
	v15 =	vld.idx.msk [tilespmem:v5+s2+$0x0], $0xffff  }
0x20e: {  	s31 =	simm.s32 $0x2;
	v9 =	vadd.s32 s30, v0;
	v8 =	vand.u32 $0x1FF, v8;
	v5 =	vadd.s32 s3, v0;
	v10 =	vld.idx.msk [tilespmem:v6+s2+$0x0], $0xffff  }
0x20f: {  	v8 =	vor.u32 v2, v8;
	v6 =	vadd.s32 s31, v0;
	v5 =	vand.u32 $0x1FF, v5  }
0x210: {  	v6 =	vand.u32 $0x1FF, v6;
	v11 =	vor.u32 v2, v5;
	v5 =	vand.u32 $0x1FF, v9;
	v9 =	vld.idx.msk [tilespmem:v7+s2+$0x0], $0xffff  }
0x211: {  	v6 =	vor.u32 v2, v6;
	v13 =	vor.u32 v2, v5  }
0x212: {  	v5 =	vshra.s32 v4, $0xA;
	v4 =	vand.u32 $0x3FF, v4;
	v12 =	vshra.s32 v15, $0xA  }
0x213: {  	v14 =	vshra.s32 v10, $0xA;
	v15 =	vand.u32 $0x3FF, v15;
	v7 =	vmul.u32 $0xFFFF, v5  }
0x214: {  	v5 =	vor.u32 v3, v4;
	v12 =	vmul.u32 $0xFFFF, v12;
	v4 =	vld.idx.msk [tilespmem:v8+s2+$0x0], $0xffff;
	v8 =	vand.u32 $0x3FF, v10  }
0x215: {  	v10 =	vld.idx.msk [tilespmem:v11+s2+$0x0], $0xffff;
	v11 =	vshra.s32 v9, $0xA;
	v16 =	vand.u32 $0x3FF, v9;
	v7 =	vadd.s32 $0x1, v7  }
0x216: {  	s29 =	simm.s32 $0x8;
	v12 =	vadd.s32 $0x1, v12;
	v9 =	vld.idx.msk [tilespmem:v13+s2+$0x0], $0xffff;
	v13 =	vmul.u32 $0xFFFF, v11;
	v11 =	vor.u32 v3, v16  }
.LBB2_28:
0x217: {  	s0 =	sadd.s32 $0x1, s29  }
0x218: {  	s1 =	sadd.s32 $0x2, s29;
	s3 =	sadd.s32 $0x3, s29;
	v14 =	vmul.u32 $0xFFFF, v14;
	v15 =	vor.u32 v3, v15;
	s30 =	smov.u32 s29  }
0x219: {  	s31 =	sadd.s32 $0x6, s29;
	v18 =	vand.u32 $0x3FF, v4;
	v16 =	vadd.s32 s0, v0;
	v17 =	vadd.s32 s1, v0;
	s0 =	sadd.s32 $0x4, s29;
	s1 =	sadd.s32 $0x5, s29  }
0x21a: {  	p0 =	slt.u32 s29, $0x1F8;
	s29 =	sadd.s32 $0x8, s29;
	v21 =	vand.u32 $0x3FF, v10;
	v19 =	vadd.s32 s0, v0;
	v20 =	vadd.s32 s1, v0;
	s0 =	sadd.s32 $0x7, s30  }
0x21b: {  	v22 =	vadd.s32 s30, v0;
	v21 =	vor.u32 v3, v21;
	v23 =	vadd.s32 s0, v0  }
0x21c: {  	v18 =	vor.u32 v3, v18;
	v22 =	vand.u32 $0x1FF, v22;
	v20 =	vand.u32 $0x1FF, v20  }
0x21d: {  	v22 =	vor.u32 v2, v22;
	v23 =	vand.u32 $0x1FF, v23;
	v24 =	vand.u32 $0x3FF, v9;
	[tilespmem:v15+s22+$0x0] =	vst.idx.add.s32.msk $0xffff, v12  }
0x21e: {  	v13 =	vadd.s32 $0x1, v13;
	v12 =	vor.u32 v2, v20;
	v15 =	vor.u32 v2, v23  }
0x21f: {  	v19 =	vand.u32 $0x1FF, v19;
	v20 =	vadd.s32 s31, v0;
	v23 =	vld.idx.msk [tilespmem:v6+s2+$0x0], $0xffff;
	v6 =	vshra.s32 v10, $0xA  }
0x220: {  	v10 =	vor.u32 v2, v19;
	v19 =	vand.u32 $0x1FF, v20;
	[tilespmem:v11+s22+$0x0] =	vst.idx.add.s32.msk $0xffff, v13;
	v11 =	vmul.u32 $0xFFFF, v6  }
0x221: {  	v6 =	vand.u32 $0x1FF, v17;
	v13 =	vor.u32 v2, v19;
	[tilespmem:v5+s22+$0x0] =	vst.idx.add.s32.msk $0xffff, v7;
	v5 =	vor.u32 v3, v8  }
0x222: {  	v17 =	vor.u32 v3, v24;
	v8 =	vand.u32 $0x1FF, v16;
	v16 =	vadd.s32 s3, v0;
	v7 =	vld.idx.msk [tilespmem:v22+s2+$0x0], $0xffff  }
0x223: {  	v9 =	vshra.s32 v9, $0xA;
	v19 =	vor.u32 v2, v8;
	v8 =	vand.u32 $0x1FF, v16;
	v15 =	vld.idx.msk [tilespmem:v15+s2+$0x0], $0xffff  }
0x224: {  	v9 =	vmul.u32 $0xFFFF, v9;
	v6 =	vor.u32 v2, v6;
	v8 =	vor.u32 v2, v8;
	v12 =	vld.idx.msk [tilespmem:v12+s2+$0x0], $0xffff  }
0x225: {  	v11 =	vadd.s32 $0x1, v11;
	v20 =	vand.u32 $0x3FF, v23;
	v16 =	vld.idx.msk [tilespmem:v10+s2+$0x0], $0xffff;
	v10 =	vshra.s32 v23, $0xA  }
0x226: {  	v9 =	vadd.s32 $0x1, v9;
	v20 =	vor.u32 v3, v20;
	v22 =	vmul.u32 $0xFFFF, v10;
	[tilespmem:v21+s22+$0x0] =	vst.idx.add.s32.msk $0xffff, v11  }
0x227: {  	v4 =	vshra.s32 v4, $0xA;
	[tilespmem:v17+s22+$0x0] =	vst.idx.add.s32.msk $0xffff, v9;
	v9 =	vadd.s32 $0x1, v14  }
0x228: {  	v11 =	vmul.u32 $0xFFFF, v4;
	v10 =	vshra.s32 v7, $0xA;
	v7 =	vand.u32 $0x3FF, v7;
	[tilespmem:v5+s22+$0x0] =	vst.idx.add.s32.msk $0xffff, v9  }
.Ltmp13:
0x229: {  	v9 =	vmul.u32 $0xFFFF, v10;
	v5 =	vor.u32 v3, v7;
	v7 =	vshra.s32 v15, $0xA;
	v4 =	vld.idx.msk [tilespmem:v8+s2+$0x0], $0xffff;
	(pc) =	sbr.rel @p0 .LBB2_28-.Ltmp13, $4  }
0x22a: {  	v17 =	vadd.s32 $0x1, v22;
	v11 =	vadd.s32 $0x1, v11;
	v10 =	vld.idx.msk [tilespmem:v13+s2+$0x0], $0xffff;
	v13 =	vmul.u32 $0xFFFF, v7  }
0x22b: {  	v7 =	vadd.s32 $0x1, v9;
	v14 =	vshra.s32 v16, $0xA;
	v8 =	vand.u32 $0x3FF, v16;
	[tilespmem:v18+s22+$0x0] =	vst.idx.add.s32.msk $0xffff, v11  }
0x22c: {  	v16 =	vand.u32 $0x3FF, v12;
	v11 =	vshra.s32 v12, $0xA;
	v12 =	vadd.s32 $0x1, v13;
	[tilespmem:v20+s22+$0x0] =	vst.idx.add.s32.msk $0xffff, v17  }
0x22d: {  	v15 =	vand.u32 $0x3FF, v15;
	v13 =	vmul.u32 $0xFFFF, v11;
	v11 =	vor.u32 v3, v16;
	v9 =	vld.idx.msk [tilespmem:v19+s2+$0x0], $0xffff  }
0x22e: {  	_ =	sdelay $0x3  }
0x22f: {  	v6 =	vld.idx.msk [tilespmem:v6+s2+$0x0], $0xffff  }
0x230: {  	v15 =	vor.u32 v3, v15;
	v14 =	vmul.u32 $0xFFFF, v14;
	v17 =	vand.u32 $0x3FF, v4  }
0x231: {  	v8 =	vor.u32 v3, v8;
	v4 =	vshra.s32 v4, $0xA;
	v16 =	vand.u32 $0x3FF, v10  }
0x232: {  	v13 =	vadd.s32 $0x1, v13;
	v58 =	vshra.s32 v10, $0xA;
	v16 =	vor.u32 v3, v16  }
0x233: {  	[tilespmem:v5+s22+$0x0] =	vst.idx.add.s32.msk $0xffff, v7;
	v60 =	vor.u32 v3, v17;
	v4 =	vmul.u32 $0xFFFF, v4;
	v18 =	vand.u32 $0x3FF, v9  }
0x234: {  	v10 =	vmul.u32 $0xFFFF, v58;
	[tilespmem:v11+s22+$0x0] =	vst.idx.add.s32.msk $0xffff, v13;
	v18 =	vor.u32 v3, v18;
	v61 =	vand.u32 $0x3FF, v6  }
0x235: {  	v63 =	vadd.s32 $0x1, v14;
	v59 =	vshra.s32 v9, $0xA;
	[tilespmem:v15+s22+$0x0] =	vst.idx.add.s32.msk $0xffff, v12;
	v62 =	vor.u32 v3, v61  }
0x236: {  	v5 =	vadd.s32 $0x1, v10;
	v9 =	vmul.u32 $0xFFFF, v59;
	v6 =	vshra.s32 v6, $0xA;
	[tilespmem:v8+s22+$0x0] =	vst.idx.add.s32.msk $0xffff, v63  }
0x237: {  	v4 =	vadd.s32 $0x1, v4;
	[tilespmem:v16+s22+$0x0] =	vst.idx.add.s32.msk $0xffff, v5;
	v5 =	vmul.u32 $0xFFFF, v6  }
0x238: {  	[tilespmem:v60+s22+$0x0] =	vst.idx.add.s32.msk $0xffff, v4;
	v9 =	vadd.s32 $0x1, v9  }
0x239: {  	v5 =	vadd.s32 $0x1, v5;
	[tilespmem:v18+s22+$0x0] =	vst.idx.add.s32.msk $0xffff, v9  }
0x23a: {  	[tilespmem:v62+s22+$0x0] =	vst.idx.add.s32.msk $0xffff, v5  }
0x23b: {  	[hbm4b:s17+s2] =	stream.linear.scatter [tilespmem:s22], [sflag:$0x3], $0x4000, $0x38;
	[tilespmem:$0xC000] =	vst v63  }
0x23c: {  	_ =	swait.ge [sflag:s23], $0x2000  }
0x23d: {  	[sflag:s23] =	ssyncset.done $0x0  }
0x23e: {  	[sflag:s23] =	ssyncadd.s32 $0xFFFFE000  }
0x23f: {  	_ =	swait.ge [sflag:s26], $0x4000  }
0x240: {  	[sflag:s26] =	ssyncset.done $0x0  }
0x241: {  	s29 =	simm.s32 $0x8040;
	[sflag:s26] =	ssyncadd.s32 $0xFFFFC000  }
0x242: {  	[tilespmem:s29+$0xFFFFFFC0] =	vst v1  }
0x243: {  	[tilespmem:s29+$0x30] =	vst v1  }
0x244: {  	[tilespmem:s29+$0x20] =	vst v1  }
0x245: {  	[tilespmem:s29+$0x10] =	vst v1  }
0x246: {  	[tilespmem:s29+$0x0] =	vst v1  }
0x247: {  	[tilespmem:s29+$0xFFFFFFF0] =	vst v1  }
0x248: {  	s30 =	simm.s32 $0x0;
	[tilespmem:s29+$0xFFFFFFE0] =	vst v1  }
.LBB2_30:
0x249: {  	s30 =	sadd.s32 $0x80, s30;
	[tilespmem:s29+$0xFFFFFFD0] =	vst v1;
	s29 =	sadd.s32 $0x80, s29  }
0x24a: {  	[tilespmem:s29+$0xFFFFFFC0] =	vst v1;
	p0 =	slt.u32 s30, $0x3F80  }
0x24b: {  	[tilespmem:s29+$0x30] =	vst v1  }
.Ltmp14:
0x24c: {  	[tilespmem:s29+$0x20] =	vst v1;
	(pc) =	sbr.rel @p0 .LBB2_30-.Ltmp14, $4  }
0x24d: {  	[tilespmem:s29+$0x10] =	vst v1  }
0x24e: {  	[tilespmem:s29+$0x0] =	vst v1  }
0x24f: {  	[tilespmem:s29+$0xFFFFFFF0] =	vst v1  }
0x250: {  	[tilespmem:s29+$0xFFFFFFE0] =	vst v1  }
0x251: {  	s0 =	simm.s32 $0x0  }
0x252: {  	s1 =	simm.s32 $0x7;
	v4 =	vadd.s32 s0, v0  }
0x253: {  	s30 =	simm.s32 $0x4;
	v5 =	vadd.s32 s1, v0;
	v4 =	vand.u32 $0x1FF, v4  }
0x254: {  	v6 =	vadd.s32 s30, v0;
	v5 =	vand.u32 $0x1FF, v5;
	v4 =	vor.u32 v2, v4  }
0x255: {  	s31 =	simm.s32 $0x5;
	v6 =	vand.u32 $0x1FF, v6;
	v5 =	vor.u32 v2, v5  }
0x256: {  	v7 =	vadd.s32 s31, v0;
	v6 =	vor.u32 v2, v6  }
0x257: {  	v7 =	vand.u32 $0x1FF, v7  }
0x258: {  	[tilespmem:s29+$0xFFFFFFD0] =	vst v1;
	v7 =	vor.u32 v2, v7  }
0x259: {  	s1 =	simm.s32 $0x3;
	v4 =	vld.idx.msk [tilespmem:v4+s20+$0x0], $0xffff  }
0x25a: {  	s3 =	simm.s32 $0x6;
	s30 =	simm.s32 $0x1;
	v8 =	vadd.s32 s1, v0;
	v15 =	vld.idx.msk [tilespmem:v5+s20+$0x0], $0xffff  }
0x25b: {  	s31 =	simm.s32 $0x2;
	v9 =	vadd.s32 s30, v0;
	v8 =	vand.u32 $0x1FF, v8;
	v5 =	vadd.s32 s3, v0;
	v10 =	vld.idx.msk [tilespmem:v6+s20+$0x0], $0xffff  }
0x25c: {  	v8 =	vor.u32 v2, v8;
	v6 =	vadd.s32 s31, v0;
	v5 =	vand.u32 $0x1FF, v5  }
0x25d: {  	v6 =	vand.u32 $0x1FF, v6;
	v11 =	vor.u32 v2, v5;
	v5 =	vand.u32 $0x1FF, v9;
	v9 =	vld.idx.msk [tilespmem:v7+s20+$0x0], $0xffff  }
0x25e: {  	v6 =	vor.u32 v2, v6;
	v13 =	vor.u32 v2, v5  }
0x25f: {  	v5 =	vshra.s32 v4, $0xA;
	v4 =	vand.u32 $0x3FF, v4;
	v12 =	vshra.s32 v15, $0xA  }
0x260: {  	v14 =	vshra.s32 v10, $0xA;
	v15 =	vand.u32 $0x3FF, v15;
	v7 =	vmul.u32 $0xFFFF, v5  }
0x261: {  	v5 =	vor.u32 v3, v4;
	v12 =	vmul.u32 $0xFFFF, v12;
	v4 =	vld.idx.msk [tilespmem:v8+s20+$0x0], $0xffff;
	v8 =	vand.u32 $0x3FF, v10  }
0x262: {  	v10 =	vld.idx.msk [tilespmem:v11+s20+$0x0], $0xffff;
	v11 =	vshra.s32 v9, $0xA;
	v16 =	vand.u32 $0x3FF, v9;
	v7 =	vadd.s32 $0x1, v7  }
0x263: {  	s29 =	simm.s32 $0x8;
	v12 =	vadd.s32 $0x1, v12;
	v9 =	vld.idx.msk [tilespmem:v13+s20+$0x0], $0xffff;
	v13 =	vmul.u32 $0xFFFF, v11;
	v11 =	vor.u32 v3, v16  }
.LBB2_32:
0x264: {  	s0 =	sadd.s32 $0x1, s29  }
0x265: {  	s1 =	sadd.s32 $0x2, s29;
	s3 =	sadd.s32 $0x3, s29;
	v14 =	vmul.u32 $0xFFFF, v14;
	v15 =	vor.u32 v3, v15;
	s30 =	smov.u32 s29  }
0x266: {  	s31 =	sadd.s32 $0x6, s29;
	v18 =	vand.u32 $0x3FF, v4;
	v16 =	vadd.s32 s0, v0;
	v17 =	vadd.s32 s1, v0;
	s0 =	sadd.s32 $0x4, s29;
	s1 =	sadd.s32 $0x5, s29  }
0x267: {  	p0 =	slt.u32 s29, $0x1F8;
	s29 =	sadd.s32 $0x8, s29;
	v21 =	vand.u32 $0x3FF, v10;
	v19 =	vadd.s32 s0, v0;
	v20 =	vadd.s32 s1, v0;
	s0 =	sadd.s32 $0x7, s30  }
0x268: {  	v22 =	vadd.s32 s30, v0;
	v21 =	vor.u32 v3, v21;
	v23 =	vadd.s32 s0, v0  }
0x269: {  	v18 =	vor.u32 v3, v18;
	v22 =	vand.u32 $0x1FF, v22;
	v20 =	vand.u32 $0x1FF, v20  }
0x26a: {  	v22 =	vor.u32 v2, v22;
	v23 =	vand.u32 $0x1FF, v23;
	v24 =	vand.u32 $0x3FF, v9;
	[tilespmem:v15+s24+$0x0] =	vst.idx.add.s32.msk $0xffff, v12  }
0x26b: {  	v13 =	vadd.s32 $0x1, v13;
	v12 =	vor.u32 v2, v20;
	v15 =	vor.u32 v2, v23  }
0x26c: {  	v19 =	vand.u32 $0x1FF, v19;
	v20 =	vadd.s32 s31, v0;
	v23 =	vld.idx.msk [tilespmem:v6+s20+$0x0], $0xffff;
	v6 =	vshra.s32 v10, $0xA  }
0x26d: {  	v10 =	vor.u32 v2, v19;
	v19 =	vand.u32 $0x1FF, v20;
	[tilespmem:v11+s24+$0x0] =	vst.idx.add.s32.msk $0xffff, v13;
	v11 =	vmul.u32 $0xFFFF, v6  }
0x26e: {  	v6 =	vand.u32 $0x1FF, v17;
	v13 =	vor.u32 v2, v19;
	[tilespmem:v5+s24+$0x0] =	vst.idx.add.s32.msk $0xffff, v7;
	v5 =	vor.u32 v3, v8  }
0x26f: {  	v17 =	vor.u32 v3, v24;
	v8 =	vand.u32 $0x1FF, v16;
	v16 =	vadd.s32 s3, v0;
	v7 =	vld.idx.msk [tilespmem:v22+s20+$0x0], $0xffff  }
0x270: {  	v9 =	vshra.s32 v9, $0xA;
	v19 =	vor.u32 v2, v8;
	v8 =	vand.u32 $0x1FF, v16;
	v15 =	vld.idx.msk [tilespmem:v15+s20+$0x0], $0xffff  }
0x271: {  	v9 =	vmul.u32 $0xFFFF, v9;
	v6 =	vor.u32 v2, v6;
	v8 =	vor.u32 v2, v8;
	v12 =	vld.idx.msk [tilespmem:v12+s20+$0x0], $0xffff  }
0x272: {  	v11 =	vadd.s32 $0x1, v11;
	v20 =	vand.u32 $0x3FF, v23;
	v16 =	vld.idx.msk [tilespmem:v10+s20+$0x0], $0xffff;
	v10 =	vshra.s32 v23, $0xA  }
0x273: {  	v9 =	vadd.s32 $0x1, v9;
	v20 =	vor.u32 v3, v20;
	v22 =	vmul.u32 $0xFFFF, v10;
	[tilespmem:v21+s24+$0x0] =	vst.idx.add.s32.msk $0xffff, v11  }
0x274: {  	v4 =	vshra.s32 v4, $0xA;
	[tilespmem:v17+s24+$0x0] =	vst.idx.add.s32.msk $0xffff, v9;
	v9 =	vadd.s32 $0x1, v14  }
0x275: {  	v11 =	vmul.u32 $0xFFFF, v4;
	v10 =	vshra.s32 v7, $0xA;
	v7 =	vand.u32 $0x3FF, v7;
	[tilespmem:v5+s24+$0x0] =	vst.idx.add.s32.msk $0xffff, v9  }
.Ltmp15:
0x276: {  	v9 =	vmul.u32 $0xFFFF, v10;
	v5 =	vor.u32 v3, v7;
	v7 =	vshra.s32 v15, $0xA;
	v4 =	vld.idx.msk [tilespmem:v8+s20+$0x0], $0xffff;
	(pc) =	sbr.rel @p0 .LBB2_32-.Ltmp15, $4  }
0x277: {  	v17 =	vadd.s32 $0x1, v22;
	v11 =	vadd.s32 $0x1, v11;
	v10 =	vld.idx.msk [tilespmem:v13+s20+$0x0], $0xffff;
	v13 =	vmul.u32 $0xFFFF, v7  }
0x278: {  	v7 =	vadd.s32 $0x1, v9;
	v14 =	vshra.s32 v16, $0xA;
	v8 =	vand.u32 $0x3FF, v16;
	[tilespmem:v18+s24+$0x0] =	vst.idx.add.s32.msk $0xffff, v11  }
0x279: {  	v16 =	vand.u32 $0x3FF, v12;
	v11 =	vshra.s32 v12, $0xA;
	v12 =	vadd.s32 $0x1, v13;
	[tilespmem:v20+s24+$0x0] =	vst.idx.add.s32.msk $0xffff, v17  }
0x27a: {  	v15 =	vand.u32 $0x3FF, v15;
	v13 =	vmul.u32 $0xFFFF, v11;
	v11 =	vor.u32 v3, v16;
	v9 =	vld.idx.msk [tilespmem:v19+s20+$0x0], $0xffff  }
0x27b: {  	_ =	sdelay $0x3  }
0x27c: {  	v6 =	vld.idx.msk [tilespmem:v6+s20+$0x0], $0xffff  }
0x27d: {  	v15 =	vor.u32 v3, v15;
	v14 =	vmul.u32 $0xFFFF, v14;
	v17 =	vand.u32 $0x3FF, v4  }
0x27e: {  	v8 =	vor.u32 v3, v8;
	v4 =	vshra.s32 v4, $0xA;
	v16 =	vand.u32 $0x3FF, v10  }
0x27f: {  	v13 =	vadd.s32 $0x1, v13;
	v58 =	vshra.s32 v10, $0xA;
	v16 =	vor.u32 v3, v16  }
0x280: {  	[tilespmem:v5+s24+$0x0] =	vst.idx.add.s32.msk $0xffff, v7;
	v60 =	vor.u32 v3, v17;
	v4 =	vmul.u32 $0xFFFF, v4;
	v18 =	vand.u32 $0x3FF, v9  }
0x281: {  	v10 =	vmul.u32 $0xFFFF, v58;
	[tilespmem:v11+s24+$0x0] =	vst.idx.add.s32.msk $0xffff, v13;
	v18 =	vor.u32 v3, v18;
	v61 =	vand.u32 $0x3FF, v6  }
0x282: {  	v63 =	vadd.s32 $0x1, v14;
	v59 =	vshra.s32 v9, $0xA;
	[tilespmem:v15+s24+$0x0] =	vst.idx.add.s32.msk $0xffff, v12;
	v62 =	vor.u32 v3, v61  }
0x283: {  	v5 =	vadd.s32 $0x1, v10;
	v9 =	vmul.u32 $0xFFFF, v59;
	v6 =	vshra.s32 v6, $0xA;
	[tilespmem:v8+s24+$0x0] =	vst.idx.add.s32.msk $0xffff, v63  }
0x284: {  	v4 =	vadd.s32 $0x1, v4;
	[tilespmem:v16+s24+$0x0] =	vst.idx.add.s32.msk $0xffff, v5;
	v5 =	vmul.u32 $0xFFFF, v6  }
0x285: {  	[tilespmem:v60+s24+$0x0] =	vst.idx.add.s32.msk $0xffff, v4;
	v9 =	vadd.s32 $0x1, v9  }
0x286: {  	v5 =	vadd.s32 $0x1, v5;
	[tilespmem:v18+s24+$0x0] =	vst.idx.add.s32.msk $0xffff, v9  }
0x287: {  	s28 =	sadd.s32 $0x1, s28;
	[tilespmem:v62+s24+$0x0] =	vst.idx.add.s32.msk $0xffff, v5  }
0x288: {  	[hbm4b:s18+s2] =	stream.linear.scatter [tilespmem:s24], [sflag:$0x4], $0x4000, $0x38;
	[tilespmem:$0xC000] =	vst v63  }
0x289: {  	p0 =	sne.s32 s28, s19;
	_ =	swait.ge [sflag:s25], $0x4000  }
.Ltmp16:
0x28a: {  	[sflag:s25] =	ssyncset.done $0x0;
	(pc) =	sbr.rel @p0 .LBB2_1-.Ltmp16, $4  }
0x28b: {  	[sflag:s25] =	ssyncadd.s32 $0xFFFFC000  }
0x28c: {  	_ =	swait.ge [sflag:s26], $0x4000  }
0x28d: {  	[sflag:s26] =	ssyncset.done $0x0  }
0x28e: {  	[sflag:s26] =	ssyncadd.s32 $0xFFFFC000  }
0x28f: {  	_ =	sfence.sel $0x180000  }
0x290: {  	[bflag:$0x0] =	sbarrier.arrive $0xFFFF  }
0x291: {  	_ =	strace $0x90000047  }
0x292: {  	s0 =	stileid.u32;
	[bflag:$0x2] =	sbarrier.arrive $0xFFFF  }
0x293: {  	p0 =	sne.s32 s0, $0x0;
	s0 =	rddreg [dreg:$0x1]  }
0x294: {  	s0 =	sadd.s32 @!p0 $0x100000, s0  }
0x295: {  	[sflag:s0] =	ssyncadd.tile.s32 @!p0 $0x1;
	_ =	shalt  }
.Lfunc_end2:
_tile_overlayer_lowered:
.L_overlay_start_2:
0x296: {  	(tag) =	ssettag $0x2  }
0x297: {  	s0 =	rddreg [dreg:$0x0];
	s2 =	stileid.u32  }
0x298: {  	s1 =	rddreg [dreg:$0x1];
	p0 =	sne.s32 s2, $0x0  }
0x299: {  	s3 =	rddreg [dreg:$0x2];
	[bflag:$0x3] =	sbarrier.arrive $0xFFFF;
	s2 =	simm.s32 @!p0 $0x1C05  }
0x29a: {  	[timem:s3], [sflag:s2] =	dma.local @!p0 [hbm:s0], s1  }
0x29b: {  	s0 =	simm.s32 @!p0 $0x5  }
0x29c: {  	_ =	swait.ge @!p0 [sflag:s0], s1  }
0x29d: {  	s1 =	ssub.s32 @!p0 $0x0, s1;
	[sflag:s0] =	ssyncset.done @!p0 $0x0  }
0x29e: {  	[sflag:s0] =	ssyncadd.s32 @!p0 s1  }
0x29f: {  	[bflag:$0x3] =	sbarrier.arrive $0xFFFF  }
0x2a0: {  	_ =	shalt  }

</sc_bundles>
